<compile_context>
chip_gen: v7x
topology: tpu7x:2x2x1
jax: 0.10.2.dev20260603
libtpu: 0.0.44.dev20260713+nightly
codegen_flags: <defaults>
</compile_context>

<pallas_src>
import functools

import jax
import jax.numpy as jnp
from jax import lax
from jax.experimental import pallas as pl
from jax.experimental.pallas import tpu as pltpu
from jax.experimental.pallas import tpu_sc as plsc

N = 10000
E = 320000
F = 128
H = 128
K = 128


NB = 400
FC = 16


def _feat_kernel(d_ref, a_ref, w_ref, o_ref):
    a = a_ref[...]
    d = d_ref[...]
    a_t = jnp.concatenate([a] * FC, axis=1)
    acc = jnp.zeros((NB, K), jnp.float32)
    for fc in range(0, F, FC):
        d_rep = jnp.concatenate(
            [lax.broadcast_in_dim(d[:, fc + i][:, None], (NB, H), (0, 1))
             for i in range(FC)], axis=1)
        pair = d_rep * a_t
        acc = acc + jnp.dot(pair, w_ref[fc * H:(fc + FC) * H, :],
                            preferred_element_type=jnp.float32)
    o_ref[...] = acc


def _feat_src(dist_exp, atom_emb, w2d):
    grid = (N // NB,)
    return pl.pallas_call(
        _feat_kernel,
        grid=grid,
        in_specs=[
            pl.BlockSpec((NB, F), lambda i: (i, 0)),
            pl.BlockSpec((NB, H), lambda i: (i, 0)),
            pl.BlockSpec((F * H, K), lambda i: (0, 0)),
        ],
        out_specs=pl.BlockSpec((NB, K), lambda i: (i, 0)),
        out_shape=jax.ShapeDtypeStruct((N, K), jnp.float32),
    )(dist_exp, atom_emb, w2d)



NC = 2
NS = 16
CH = 80
EPT = E // (NC * NS)
NCHUNK = EPT // CH
STRIPE = 624
TAILROWS = N - NS * STRIPE


def _agg_kernel(feat_hbm, src_hbm, dst_hbm, zero_hbm, out_hbm,
                sidx_v, didx_v, rows_v, acc_sh, sem):
    c = lax.axis_index("c")
    s = lax.axis_index("s")
    pltpu.sync_copy(zero_hbm.at[pl.ds(s * STRIPE, STRIPE)],
                    acc_sh.at[pl.ds(s * STRIPE, STRIPE)])

    @pl.when(s == NS - 1)
    def _init_tail():
        pltpu.sync_copy(zero_hbm.at[pl.ds(NS * STRIPE, TAILROWS)],
                        acc_sh.at[pl.ds(NS * STRIPE, TAILROWS)])

    plsc.subcore_barrier()

    base = c * (E // NC) + s * EPT

    def body(j, carry):
        off = base + j * CH
        pltpu.sync_copy(src_hbm.at[pl.ds(off, CH)], sidx_v)
        pltpu.sync_copy(dst_hbm.at[pl.ds(off, CH)], didx_v)
        pltpu.async_copy(feat_hbm.at[sidx_v], rows_v, sem).wait()
        pltpu.sync_copy(rows_v, acc_sh.at[didx_v], add=True)
        return carry

    lax.fori_loop(0, NCHUNK, body, 0)
    plsc.subcore_barrier()
    pltpu.sync_copy(acc_sh.at[pl.ds(s * STRIPE, STRIPE)],
                    out_hbm.at[pl.ds(c * N + s * STRIPE, STRIPE)])

    @pl.when(s == NS - 1)
    def _out_tail():
        pltpu.sync_copy(acc_sh.at[pl.ds(NS * STRIPE, TAILROWS)],
                        out_hbm.at[pl.ds(c * N + NS * STRIPE, TAILROWS)])


def _aggregate(feat, src, dst, zeros_init):
    mesh = plsc.VectorSubcoreMesh(core_axis_name="c", subcore_axis_name="s")
    kern = pl.kernel(
        _agg_kernel,
        out_type=jax.ShapeDtypeStruct((NC * N, K), jnp.float32),
        mesh=mesh,
        scratch_types=[
            pltpu.VMEM((CH,), jnp.int32),
            pltpu.VMEM((CH,), jnp.int32),
            pltpu.VMEM((CH, K), jnp.float32),
            pltpu.VMEM_SHARED((N, K), jnp.float32),
            pltpu.SemaphoreType.DMA,
        ],
    )
    return kern(feat, src, dst, zeros_init)



def _tail_kernel(p0_ref, p1_ref, f_ref, b_ref, o_ref):
    h = p0_ref[...] + p1_ref[...] - f_ref[...]
    sp = jnp.maximum(h, 0.0) + jnp.log1p(jnp.exp(-jnp.abs(h)))
    o_ref[...] = sp + b_ref[...]


def _tail(partials, feat, bias):
    grid = (N // NB,)
    nb0 = N // NB
    return pl.pallas_call(
        _tail_kernel,
        grid=grid,
        in_specs=[
            pl.BlockSpec((NB, K), lambda i: (i, 0)),
            pl.BlockSpec((NB, K), lambda i, nb0=nb0: (i + nb0, 0)),
            pl.BlockSpec((NB, K), lambda i: (i, 0)),
            pl.BlockSpec((1, K), lambda i: (0, 0)),
        ],
        out_specs=pl.BlockSpec((NB, K), lambda i: (i, 0)),
        out_shape=jax.ShapeDtypeStruct((N, K), jnp.float32),
    )(partials, partials, feat, bias)



def kernel(dist_exp, atom_emb, edge_index, bilinear_w, bilinear_b):
    w2d = bilinear_w.reshape(F * H, K)
    feat = _feat_src(dist_exp, atom_emb, w2d)
    src = edge_index[0].astype(jnp.int32)
    dst = edge_index[1].astype(jnp.int32)
    zeros_init = jnp.zeros((N, K), jnp.float32)
    partials = _aggregate(feat, src, dst, zeros_init)
    bias = bilinear_b.reshape(1, K).astype(jnp.float32)
    return _tail(partials, feat, bias)

# --- scband reference (transcript-rebuilt; emitter-appended) ---
"""Pipeline reference for scband-atom-type-gnn-18262200943313 (READ-ONLY COPY).

The authoritative reference and input builder live on the scoring server;
editing this copy changes nothing except your own understanding.
"""

import jax, jax.numpy as jnp
import numpy as np

N = 10000
E = 320000
F_DIST = 128
F_ATOM = 128
H = 128

def setup_inputs(seed: int = 0) -> dict:
    key = jax.random.key(seed)
    k1, k2, k3, k4, k5 = jax.random.split(key, 5)
    dist_exp = jax.random.normal(k1, (N, F_DIST), dtype=jnp.float32)
    atom_emb = jax.random.normal(k2, (N, F_ATOM), dtype=jnp.float32)
    edge_index = jax.random.randint(k3, (2, E), 0, N)
    # learned parameters (torch: th.rand -> uniform [0,1))
    bilinear_w = jax.random.uniform(k4, (F_DIST, F_ATOM, H), dtype=jnp.float32)
    bilinear_b = jax.random.uniform(k5, (H,), dtype=jnp.float32)
    return {"dist_exp": dist_exp, "atom_emb": atom_emb, "edge_index": edge_index,
            "bilinear_w": bilinear_w, "bilinear_b": bilinear_b}

def reference(dist_exp, atom_emb, edge_index, bilinear_w, bilinear_b):
    # feat_src = einsum('nf,fhk,nh->nk', dist_exp, W, atom_emb)
    feat_src = jnp.einsum('nf,fhk,nh->nk', dist_exp, bilinear_w, atom_emb)
    src = edge_index[0]
    dst = edge_index[1]
    # update_all(copy_src('h','m'), sum('m','h')): sum messages feat_src[src] into dst
    agg = jnp.zeros((N, H), dtype=feat_src.dtype).at[dst].add(feat_src[src])
    # dstdata['h'] -= feat_src
    h = agg - feat_src
    rst = jax.nn.softplus(h) + bilinear_b
    return rst

if __name__ == "__main__":
    import jax
    _d = setup_inputs()
    print(jax.jit(kernel)(*tuple(_d.values())))

</pallas_src>

<mosaic_0001>
#map = affine_map<(d0, d1) -> (0, 0)>
#map1 = affine_map<(d0, d1) -> (0)>
module attributes {stable_mosaic.version = 14 : i64} {
  func.func @_agg_kernel(%arg0: i32, %arg1: i32, %arg2: memref<10000x128xf32, #tpu.memory_space<hbm>>, %arg3: memref<320000xi32, #tpu.memory_space<hbm>>, %arg4: memref<320000xi32, #tpu.memory_space<hbm>>, %arg5: memref<10000x128xf32, #tpu.memory_space<hbm>>, %arg6: memref<20000x128xf32, #tpu.memory_space<hbm>>, %arg7: memref<80xi32, #tpu.memory_space<vmem>>, %arg8: memref<80xi32, #tpu.memory_space<vmem>>, %arg9: memref<80x128xf32, #tpu.memory_space<vmem>>, %arg10: memref<10000x128xf32, #tpu.memory_space<vmem_shared>>, %arg11: memref<!tpu.dma_semaphore, #tpu.memory_space<semaphore_mem>>) attributes {dimension_semantics = [#tpu.dimension_semantics<core_parallel>, #tpu.dimension_semantics<subcore_parallel>], iteration_bounds = array<i64: 2, 16>, scalar_prefetch = 0 : i64, scratch_operands = 5 : i64, tpu.core_type = #tpu.core_type<sc_vector_subcore>, window_params = [{transform_indices = #map}, {transform_indices = #map1}, {transform_indices = #map1}, {transform_indices = #map}, {transform_indices = #map}]} {
    %mul3A = arith.constant 624 : i32
    %mul3A_0 = arith.muli %arg1, %mul3A : i32
    %mul3A_1 = arith.constant 624 : i32
    %mul3A_2 = arith.muli %arg1, %mul3A_1 : i32
    "tpu.region"() ({
      %run_scoped3A = tpu.sem_alloc : memref<!tpu.dma_semaphore, #tpu.memory_space<semaphore_mem>>
      %dma_start3A = arith.constant 0 : i32
      %dma_start3A_27 = tpu.memref_slice %arg10[%mul3A_2, %dma_start3A] : memref<10000x128xf32, #tpu.memory_space<vmem_shared>> -> memref<624x128xf32, #tpu.memory_space<vmem_shared>>
      %dma_start3A_28 = arith.constant 0 : i32
      %dma_start3A_29 = tpu.memref_slice %arg5[%mul3A_0, %dma_start3A_28] : memref<10000x128xf32, #tpu.memory_space<hbm>> -> memref<624x128xf32, #tpu.memory_space<hbm>>
      tpu.enqueue_dma source(%dma_start3A_29 : memref<624x128xf32, #tpu.memory_space<hbm>>) target(%dma_start3A_27 : memref<624x128xf32, #tpu.memory_space<vmem_shared>>) target_semaphore(%run_scoped3A : memref<!tpu.dma_semaphore, #tpu.memory_space<semaphore_mem>>)
      %dma_wait3A = arith.constant 0 : i32
      %dma_wait3A_30 = tpu.memref_slice %arg10[%mul3A_2, %dma_wait3A] : memref<10000x128xf32, #tpu.memory_space<vmem_shared>> -> memref<624x128xf32, #tpu.memory_space<vmem_shared>>
      %dma_wait3A_31 = arith.constant 0 : i32
      %dma_wait3A_32 = tpu.memref_slice %arg5[%mul3A_0, %dma_wait3A_31] : memref<10000x128xf32, #tpu.memory_space<hbm>> -> memref<624x128xf32, #tpu.memory_space<hbm>>
      tpu.wait_dma2 semaphore(%run_scoped3A : memref<!tpu.dma_semaphore, #tpu.memory_space<semaphore_mem>>) src(%dma_wait3A_32 : memref<624x128xf32, #tpu.memory_space<hbm>>) dst(%dma_wait3A_30 : memref<624x128xf32, #tpu.memory_space<vmem_shared>>)
      tpu.yield
    }) : () -> ()
    %eq3A = arith.constant 15 : i32
    %eq3A_3 = arith.cmpi eq, %arg1, %eq3A : i32
    %convert_element_type3A = arith.extui %eq3A_3 : i1 to i32
    %cond3A = arith.constant 0 : i32
    %cond3A_4 = arith.cmpi ne, %convert_element_type3A, %cond3A : i32
    scf.if %cond3A_4 {
      "tpu.region"() ({
        %run_scoped3A = tpu.sem_alloc : memref<!tpu.dma_semaphore, #tpu.memory_space<semaphore_mem>>
        %dma_start3A = arith.constant 9984 : i32
        %dma_start3A_27 = arith.constant 0 : i32
        %dma_start3A_28 = tpu.memref_slice %arg10[%dma_start3A, %dma_start3A_27] : memref<10000x128xf32, #tpu.memory_space<vmem_shared>> -> memref<16x128xf32, #tpu.memory_space<vmem_shared>>
        %dma_start3A_29 = arith.constant 9984 : i32
        %dma_start3A_30 = arith.constant 0 : i32
        %dma_start3A_31 = tpu.memref_slice %arg5[%dma_start3A_29, %dma_start3A_30] : memref<10000x128xf32, #tpu.memory_space<hbm>> -> memref<16x128xf32, #tpu.memory_space<hbm>>
        tpu.enqueue_dma source(%dma_start3A_31 : memref<16x128xf32, #tpu.memory_space<hbm>>) target(%dma_start3A_28 : memref<16x128xf32, #tpu.memory_space<vmem_shared>>) target_semaphore(%run_scoped3A : memref<!tpu.dma_semaphore, #tpu.memory_space<semaphore_mem>>)
        %dma_wait3A = arith.constant 9984 : i32
        %dma_wait3A_32 = arith.constant 0 : i32
        %dma_wait3A_33 = tpu.memref_slice %arg10[%dma_wait3A, %dma_wait3A_32] : memref<10000x128xf32, #tpu.memory_space<vmem_shared>> -> memref<16x128xf32, #tpu.memory_space<vmem_shared>>
        %dma_wait3A_34 = arith.constant 9984 : i32
        %dma_wait3A_35 = arith.constant 0 : i32
        %dma_wait3A_36 = tpu.memref_slice %arg5[%dma_wait3A_34, %dma_wait3A_35] : memref<10000x128xf32, #tpu.memory_space<hbm>> -> memref<16x128xf32, #tpu.memory_space<hbm>>
        tpu.wait_dma2 semaphore(%run_scoped3A : memref<!tpu.dma_semaphore, #tpu.memory_space<semaphore_mem>>) src(%dma_wait3A_36 : memref<16x128xf32, #tpu.memory_space<hbm>>) dst(%dma_wait3A_33 : memref<16x128xf32, #tpu.memory_space<vmem_shared>>)
        tpu.yield
      }) : () -> ()
    } else {
    }
    %barrier3A = arith.constant 0 : index
    tpu.barrier barrier_id(%barrier3A)
    %mul3A_5 = arith.constant 160000 : i32
    %mul3A_6 = arith.muli %arg0, %mul3A_5 : i32
    %mul3A_7 = arith.constant 10000 : i32
    %mul3A_8 = arith.muli %arg1, %mul3A_7 : i32
    %add3A = arith.addi %mul3A_6, %mul3A_8 : i32
    %scan3A = arith.constant 0 : i32
    %scan3A_9 = arith.constant 0 : i32
    %scan3A_10 = arith.constant 125 : i32
    %scan3A_11 = arith.addi %scan3A_9, %scan3A_10 : i32
    %scan3A_12 = arith.constant 1 : i32
    scf.for %scan3A_27 = %scan3A_9 to %scan3A_11 step %scan3A_12  : i32 {
      %mul3A_28 = arith.constant 80 : i32
      %mul3A_29 = arith.muli %scan3A_27, %mul3A_28 : i32
      %add3A_30 = arith.addi %add3A, %mul3A_29 : i32
      "tpu.region"() ({
        %run_scoped3A = tpu.sem_alloc : memref<!tpu.dma_semaphore, #tpu.memory_space<semaphore_mem>>
        %dma_start3A_35 = tpu.memref_slice %arg3[%add3A_30] : memref<320000xi32, #tpu.memory_space<hbm>> -> memref<80xi32, #tpu.memory_space<hbm>>
        %dma_start3A_36 = tpu.memref_slice %arg3[%add3A_30] : memref<320000xi32, #tpu.memory_space<hbm>> -> memref<80xi32, #tpu.memory_space<hbm>>
        tpu.enqueue_dma source(%dma_start3A_36 : memref<80xi32, #tpu.memory_space<hbm>>) target(%arg7 : memref<80xi32, #tpu.memory_space<vmem>>) target_semaphore(%run_scoped3A : memref<!tpu.dma_semaphore, #tpu.memory_space<semaphore_mem>>)
        %dma_wait3A_37 = tpu.memref_slice %arg3[%add3A_30] : memref<320000xi32, #tpu.memory_space<hbm>> -> memref<80xi32, #tpu.memory_space<hbm>>
        %dma_wait3A_38 = tpu.memref_slice %arg3[%add3A_30] : memref<320000xi32, #tpu.memory_space<hbm>> -> memref<80xi32, #tpu.memory_space<hbm>>
        tpu.wait_dma2 semaphore(%run_scoped3A : memref<!tpu.dma_semaphore, #tpu.memory_space<semaphore_mem>>) src(%dma_wait3A_38 : memref<80xi32, #tpu.memory_space<hbm>>) dst(%arg7 : memref<80xi32, #tpu.memory_space<vmem>>)
        tpu.yield
      }) : () -> ()
      "tpu.region"() ({
        %run_scoped3A = tpu.sem_alloc : memref<!tpu.dma_semaphore, #tpu.memory_space<semaphore_mem>>
        %dma_start3A_35 = tpu.memref_slice %arg4[%add3A_30] : memref<320000xi32, #tpu.memory_space<hbm>> -> memref<80xi32, #tpu.memory_space<hbm>>
        %dma_start3A_36 = tpu.memref_slice %arg4[%add3A_30] : memref<320000xi32, #tpu.memory_space<hbm>> -> memref<80xi32, #tpu.memory_space<hbm>>
        tpu.enqueue_dma source(%dma_start3A_36 : memref<80xi32, #tpu.memory_space<hbm>>) target(%arg8 : memref<80xi32, #tpu.memory_space<vmem>>) target_semaphore(%run_scoped3A : memref<!tpu.dma_semaphore, #tpu.memory_space<semaphore_mem>>)
        %dma_wait3A_37 = tpu.memref_slice %arg4[%add3A_30] : memref<320000xi32, #tpu.memory_space<hbm>> -> memref<80xi32, #tpu.memory_space<hbm>>
        %dma_wait3A_38 = tpu.memref_slice %arg4[%add3A_30] : memref<320000xi32, #tpu.memory_space<hbm>> -> memref<80xi32, #tpu.memory_space<hbm>>
        tpu.wait_dma2 semaphore(%run_scoped3A : memref<!tpu.dma_semaphore, #tpu.memory_space<semaphore_mem>>) src(%dma_wait3A_38 : memref<80xi32, #tpu.memory_space<hbm>>) dst(%arg8 : memref<80xi32, #tpu.memory_space<vmem>>)
        tpu.yield
      }) : () -> ()
      %dma_start3A = arith.constant 0 : i32
      %dma_start3A_31 = arith.constant 0 : i32
      %dma_start3A_32 = tpu.memref_slice %arg2[%dma_start3A, %dma_start3A_31] : memref<10000x128xf32, #tpu.memory_space<hbm>> -> memref<10000x128xf32, #tpu.memory_space<hbm>>
      tpu.enqueue_indirect_dma source(%dma_start3A_32 : memref<10000x128xf32, #tpu.memory_space<hbm>>) target(%arg9 : memref<80x128xf32, #tpu.memory_space<vmem>>) offsets(%arg7 : memref<80xi32, #tpu.memory_space<vmem>>) semaphore(%arg11 : memref<!tpu.dma_semaphore, #tpu.memory_space<semaphore_mem>>)
      %dma_wait3A = arith.constant 0 : i32
      %dma_wait3A_33 = arith.constant 0 : i32
      %dma_wait3A_34 = tpu.memref_slice %arg2[%dma_wait3A, %dma_wait3A_33] : memref<10000x128xf32, #tpu.memory_space<hbm>> -> memref<10000x128xf32, #tpu.memory_space<hbm>>
      tpu.wait_indirect_dma semaphore(%arg11 : memref<!tpu.dma_semaphore, #tpu.memory_space<semaphore_mem>>) src(%dma_wait3A_34 : memref<10000x128xf32, #tpu.memory_space<hbm>>) dst(%arg9 : memref<80x128xf32, #tpu.memory_space<vmem>>)
      "tpu.region"() ({
        %run_scoped3A = tpu.sem_alloc : memref<!tpu.dma_semaphore, #tpu.memory_space<semaphore_mem>>
        %dma_start3A_35 = arith.constant 0 : i32
        %dma_start3A_36 = arith.constant 0 : i32
        %dma_start3A_37 = tpu.memref_slice %arg10[%dma_start3A_35, %dma_start3A_36] : memref<10000x128xf32, #tpu.memory_space<vmem_shared>> -> memref<10000x128xf32, #tpu.memory_space<vmem_shared>>
        tpu.enqueue_indirect_dma source(%arg9 : memref<80x128xf32, #tpu.memory_space<vmem>>) target(%dma_start3A_37 : memref<10000x128xf32, #tpu.memory_space<vmem_shared>>) offsets(%arg8 : memref<80xi32, #tpu.memory_space<vmem>>) semaphore(%run_scoped3A : memref<!tpu.dma_semaphore, #tpu.memory_space<semaphore_mem>>) {add = true}
        %dma_wait3A_38 = arith.constant 0 : i32
        %dma_wait3A_39 = arith.constant 0 : i32
        %dma_wait3A_40 = tpu.memref_slice %arg10[%dma_wait3A_38, %dma_wait3A_39] : memref<10000x128xf32, #tpu.memory_space<vmem_shared>> -> memref<10000x128xf32, #tpu.memory_space<vmem_shared>>
        tpu.wait_indirect_dma semaphore(%run_scoped3A : memref<!tpu.dma_semaphore, #tpu.memory_space<semaphore_mem>>) src(%arg9 : memref<80x128xf32, #tpu.memory_space<vmem>>) dst(%dma_wait3A_40 : memref<10000x128xf32, #tpu.memory_space<vmem_shared>>)
        tpu.yield
      }) : () -> ()
    }
    %scan3A_13 = arith.constant 125 : i32
    %barrier3A_14 = arith.constant 0 : index
    tpu.barrier barrier_id(%barrier3A_14)
    %mul3A_15 = arith.constant 624 : i32
    %mul3A_16 = arith.muli %arg1, %mul3A_15 : i32
    %mul3A_17 = arith.constant 10000 : i32
    %mul3A_18 = arith.muli %arg0, %mul3A_17 : i32
    %mul3A_19 = arith.constant 624 : i32
    %mul3A_20 = arith.muli %arg1, %mul3A_19 : i32
    %add3A_21 = arith.addi %mul3A_18, %mul3A_20 : i32
    "tpu.region"() ({
      %run_scoped3A = tpu.sem_alloc : memref<!tpu.dma_semaphore, #tpu.memory_space<semaphore_mem>>
      %dma_start3A = arith.constant 0 : i32
      %dma_start3A_27 = tpu.memref_slice %arg6[%add3A_21, %dma_start3A] : memref<20000x128xf32, #tpu.memory_space<hbm>> -> memref<624x128xf32, #tpu.memory_space<hbm>>
      %dma_start3A_28 = arith.constant 0 : i32
      %dma_start3A_29 = tpu.memref_slice %arg10[%mul3A_16, %dma_start3A_28] : memref<10000x128xf32, #tpu.memory_space<vmem_shared>> -> memref<624x128xf32, #tpu.memory_space<vmem_shared>>
      tpu.enqueue_dma source(%dma_start3A_29 : memref<624x128xf32, #tpu.memory_space<vmem_shared>>) target(%dma_start3A_27 : memref<624x128xf32, #tpu.memory_space<hbm>>) target_semaphore(%run_scoped3A : memref<!tpu.dma_semaphore, #tpu.memory_space<semaphore_mem>>)
      %dma_wait3A = arith.constant 0 : i32
      %dma_wait3A_30 = tpu.memref_slice %arg6[%add3A_21, %dma_wait3A] : memref<20000x128xf32, #tpu.memory_space<hbm>> -> memref<624x128xf32, #tpu.memory_space<hbm>>
      %dma_wait3A_31 = arith.constant 0 : i32
      %dma_wait3A_32 = tpu.memref_slice %arg10[%mul3A_16, %dma_wait3A_31] : memref<10000x128xf32, #tpu.memory_space<vmem_shared>> -> memref<624x128xf32, #tpu.memory_space<vmem_shared>>
      tpu.wait_dma2 semaphore(%run_scoped3A : memref<!tpu.dma_semaphore, #tpu.memory_space<semaphore_mem>>) src(%dma_wait3A_32 : memref<624x128xf32, #tpu.memory_space<vmem_shared>>) dst(%dma_wait3A_30 : memref<624x128xf32, #tpu.memory_space<hbm>>)
      tpu.yield
    }) : () -> ()
    %eq3A_22 = arith.constant 15 : i32
    %eq3A_23 = arith.cmpi eq, %arg1, %eq3A_22 : i32
    %convert_element_type3A_24 = arith.extui %eq3A_23 : i1 to i32
    %cond3A_25 = arith.constant 0 : i32
    %cond3A_26 = arith.cmpi ne, %convert_element_type3A_24, %cond3A_25 : i32
    scf.if %cond3A_26 {
      %mul3A_27 = arith.constant 10000 : i32
      %mul3A_28 = arith.muli %arg0, %mul3A_27 : i32
      %add3A_29 = arith.constant 9984 : i32
      %add3A_30 = arith.addi %mul3A_28, %add3A_29 : i32
      "tpu.region"() ({
        %run_scoped3A = tpu.sem_alloc : memref<!tpu.dma_semaphore, #tpu.memory_space<semaphore_mem>>
        %dma_start3A = arith.constant 0 : i32
        %dma_start3A_31 = tpu.memref_slice %arg6[%add3A_30, %dma_start3A] : memref<20000x128xf32, #tpu.memory_space<hbm>> -> memref<16x128xf32, #tpu.memory_space<hbm>>
        %dma_start3A_32 = arith.constant 9984 : i32
        %dma_start3A_33 = arith.constant 0 : i32
        %dma_start3A_34 = tpu.memref_slice %arg10[%dma_start3A_32, %dma_start3A_33] : memref<10000x128xf32, #tpu.memory_space<vmem_shared>> -> memref<16x128xf32, #tpu.memory_space<vmem_shared>>
        tpu.enqueue_dma source(%dma_start3A_34 : memref<16x128xf32, #tpu.memory_space<vmem_shared>>) target(%dma_start3A_31 : memref<16x128xf32, #tpu.memory_space<hbm>>) target_semaphore(%run_scoped3A : memref<!tpu.dma_semaphore, #tpu.memory_space<semaphore_mem>>)
        %dma_wait3A = arith.constant 0 : i32
        %dma_wait3A_35 = tpu.memref_slice %arg6[%add3A_30, %dma_wait3A] : memref<20000x128xf32, #tpu.memory_space<hbm>> -> memref<16x128xf32, #tpu.memory_space<hbm>>
        %dma_wait3A_36 = arith.constant 9984 : i32
        %dma_wait3A_37 = arith.constant 0 : i32
        %dma_wait3A_38 = tpu.memref_slice %arg10[%dma_wait3A_36, %dma_wait3A_37] : memref<10000x128xf32, #tpu.memory_space<vmem_shared>> -> memref<16x128xf32, #tpu.memory_space<vmem_shared>>
        tpu.wait_dma2 semaphore(%run_scoped3A : memref<!tpu.dma_semaphore, #tpu.memory_space<semaphore_mem>>) src(%dma_wait3A_38 : memref<16x128xf32, #tpu.memory_space<vmem_shared>>) dst(%dma_wait3A_35 : memref<16x128xf32, #tpu.memory_space<hbm>>)
        tpu.yield
      }) : () -> ()
    } else {
    }
    return
  }
}

module attributes {stable_mosaic.version = 14 : i64} {
  func.func @_feat_kernel(%arg0: i32, %arg1: memref<400x128xf32, #tpu.memory_space<vmem>>, %arg2: memref<400x128xf32, #tpu.memory_space<vmem>>, %arg3: memref<16384x128xf32, #tpu.memory_space<vmem>>, %arg4: memref<400x128xf32, #tpu.memory_space<vmem>>) attributes {dimension_semantics = [#tpu.dimension_semantics<arbitrary>], iteration_bounds = array<i64: 25>, scalar_prefetch = 0 : i64, scratch_operands = 0 : i64, tpu.core_type = #tpu.core_type<tc>, window_params = [{transform_indices = @transform_0, window_bounds = array<i64: 400, 128>}, {transform_indices = @transform_1, window_bounds = array<i64: 400, 128>}, {pipeline_mode = #tpu.pipeline_mode<synchronous>, transform_indices = @transform_2, window_bounds = array<i64: 16384, 128>}, {transform_indices = @transform_3, window_bounds = array<i64: 400, 128>}]} {
    %get3A = arith.constant 0 : index
    %get3A_0 = arith.constant 0 : index
    %get3A_1 = vector.load %arg2[%get3A, %get3A_0] : memref<400x128xf32, #tpu.memory_space<vmem>>, vector<400x128xf32>
    %get3A_2 = arith.constant 0 : index
    %get3A_3 = arith.constant 0 : index
    %get3A_4 = vector.load %arg1[%get3A_2, %get3A_3] : memref<400x128xf32, #tpu.memory_space<vmem>>, vector<400x128xf32>
    %concatenate3A = tpu.concatenate %get3A_1, %get3A_1, %get3A_1, %get3A_1, %get3A_1, %get3A_1, %get3A_1, %get3A_1, %get3A_1, %get3A_1, %get3A_1, %get3A_1, %get3A_1, %get3A_1, %get3A_1, %get3A_1 in 1 : vector<400x128xf32>, vector<400x128xf32>, vector<400x128xf32>, vector<400x128xf32>, vector<400x128xf32>, vector<400x128xf32>, vector<400x128xf32>, vector<400x128xf32>, vector<400x128xf32>, vector<400x128xf32>, vector<400x128xf32>, vector<400x128xf32>, vector<400x128xf32>, vector<400x128xf32>, vector<400x128xf32>, vector<400x128xf32> -> vector<400x2048xf32>
    %broadcast_in_dim3A = arith.constant 0.000000e+00 : f32
    %broadcast_in_dim3A_5 = vector.broadcast %broadcast_in_dim3A : f32 to vector<400x128xf32>
    %slice3A = vector.extract_strided_slice %get3A_4 {offsets = [0, 0], sizes = [400, 1], strides = [1, 1]} : vector<400x128xf32> to vector<400x1xf32>
    %squeeze3A = vector.shape_cast %slice3A : vector<400x1xf32> to vector<400xf32>
    %broadcast_in_dim3A_6 = vector.shape_cast %squeeze3A : vector<400xf32> to vector<400x1xf32>
    %broadcast_in_dim3A_7 = vector.shape_cast %broadcast_in_dim3A_6 : vector<400x1xf32> to vector<400x1xf32>
    %broadcast_in_dim3A_8 = vector.broadcast %broadcast_in_dim3A_7 : vector<400x1xf32> to vector<400x128xf32>
    %slice3A_9 = vector.extract_strided_slice %get3A_4 {offsets = [0, 1], sizes = [400, 1], strides = [1, 1]} : vector<400x128xf32> to vector<400x1xf32>
    %squeeze3A_10 = vector.shape_cast %slice3A_9 : vector<400x1xf32> to vector<400xf32>
    %broadcast_in_dim3A_11 = vector.shape_cast %squeeze3A_10 : vector<400xf32> to vector<400x1xf32>
    %broadcast_in_dim3A_12 = vector.shape_cast %broadcast_in_dim3A_11 : vector<400x1xf32> to vector<400x1xf32>
    %broadcast_in_dim3A_13 = vector.broadcast %broadcast_in_dim3A_12 : vector<400x1xf32> to vector<400x128xf32>
    %slice3A_14 = vector.extract_strided_slice %get3A_4 {offsets = [0, 2], sizes = [400, 1], strides = [1, 1]} : vector<400x128xf32> to vector<400x1xf32>
    %squeeze3A_15 = vector.shape_cast %slice3A_14 : vector<400x1xf32> to vector<400xf32>
    %broadcast_in_dim3A_16 = vector.shape_cast %squeeze3A_15 : vector<400xf32> to vector<400x1xf32>
    %broadcast_in_dim3A_17 = vector.shape_cast %broadcast_in_dim3A_16 : vector<400x1xf32> to vector<400x1xf32>
    %broadcast_in_dim3A_18 = vector.broadcast %broadcast_in_dim3A_17 : vector<400x1xf32> to vector<400x128xf32>
    %slice3A_19 = vector.extract_strided_slice %get3A_4 {offsets = [0, 3], sizes = [400, 1], strides = [1, 1]} : vector<400x128xf32> to vector<400x1xf32>
    %squeeze3A_20 = vector.shape_cast %slice3A_19 : vector<400x1xf32> to vector<400xf32>
    %broadcast_in_dim3A_21 = vector.shape_cast %squeeze3A_20 : vector<400xf32> to vector<400x1xf32>
    %broadcast_in_dim3A_22 = vector.shape_cast %broadcast_in_dim3A_21 : vector<400x1xf32> to vector<400x1xf32>
    %broadcast_in_dim3A_23 = vector.broadcast %broadcast_in_dim3A_22 : vector<400x1xf32> to vector<400x128xf32>
    %slice3A_24 = vector.extract_strided_slice %get3A_4 {offsets = [0, 4], sizes = [400, 1], strides = [1, 1]} : vector<400x128xf32> to vector<400x1xf32>
    %squeeze3A_25 = vector.shape_cast %slice3A_24 : vector<400x1xf32> to vector<400xf32>
    %broadcast_in_dim3A_26 = vector.shape_cast %squeeze3A_25 : vector<400xf32> to vector<400x1xf32>
    %broadcast_in_dim3A_27 = vector.shape_cast %broadcast_in_dim3A_26 : vector<400x1xf32> to vector<400x1xf32>
    %broadcast_in_dim3A_28 = vector.broadcast %broadcast_in_dim3A_27 : vector<400x1xf32> to vector<400x128xf32>
    %slice3A_29 = vector.extract_strided_slice %get3A_4 {offsets = [0, 5], sizes = [400, 1], strides = [1, 1]} : vector<400x128xf32> to vector<400x1xf32>
    %squeeze3A_30 = vector.shape_cast %slice3A_29 : vector<400x1xf32> to vector<400xf32>
    %broadcast_in_dim3A_31 = vector.shape_cast %squeeze3A_30 : vector<400xf32> to vector<400x1xf32>
    %broadcast_in_dim3A_32 = vector.shape_cast %broadcast_in_dim3A_31 : vector<400x1xf32> to vector<400x1xf32>
    %broadcast_in_dim3A_33 = vector.broadcast %broadcast_in_dim3A_32 : vector<400x1xf32> to vector<400x128xf32>
    %slice3A_34 = vector.extract_strided_slice %get3A_4 {offsets = [0, 6], sizes = [400, 1], strides = [1, 1]} : vector<400x128xf32> to vector<400x1xf32>
    %squeeze3A_35 = vector.shape_cast %slice3A_34 : vector<400x1xf32> to vector<400xf32>
    %broadcast_in_dim3A_36 = vector.shape_cast %squeeze3A_35 : vector<400xf32> to vector<400x1xf32>
    %broadcast_in_dim3A_37 = vector.shape_cast %broadcast_in_dim3A_36 : vector<400x1xf32> to vector<400x1xf32>
    %broadcast_in_dim3A_38 = vector.broadcast %broadcast_in_dim3A_37 : vector<400x1xf32> to vector<400x128xf32>
    %slice3A_39 = vector.extract_strided_slice %get3A_4 {offsets = [0, 7], sizes = [400, 1], strides = [1, 1]} : vector<400x128xf32> to vector<400x1xf32>
    %squeeze3A_40 = vector.shape_cast %slice3A_39 : vector<400x1xf32> to vector<400xf32>
    %broadcast_in_dim3A_41 = vector.shape_cast %squeeze3A_40 : vector<400xf32> to vector<400x1xf32>
    %broadcast_in_dim3A_42 = vector.shape_cast %broadcast_in_dim3A_41 : vector<400x1xf32> to vector<400x1xf32>
    %broadcast_in_dim3A_43 = vector.broadcast %broadcast_in_dim3A_42 : vector<400x1xf32> to vector<400x128xf32>
    %slice3A_44 = vector.extract_strided_slice %get3A_4 {offsets = [0, 8], sizes = [400, 1], strides = [1, 1]} : vector<400x128xf32> to vector<400x1xf32>
    %squeeze3A_45 = vector.shape_cast %slice3A_44 : vector<400x1xf32> to vector<400xf32>
    %broadcast_in_dim3A_46 = vector.shape_cast %squeeze3A_45 : vector<400xf32> to vector<400x1xf32>
    %broadcast_in_dim3A_47 = vector.shape_cast %broadcast_in_dim3A_46 : vector<400x1xf32> to vector<400x1xf32>
    %broadcast_in_dim3A_48 = vector.broadcast %broadcast_in_dim3A_47 : vector<400x1xf32> to vector<400x128xf32>
    %slice3A_49 = vector.extract_strided_slice %get3A_4 {offsets = [0, 9], sizes = [400, 1], strides = [1, 1]} : vector<400x128xf32> to vector<400x1xf32>
    %squeeze3A_50 = vector.shape_cast %slice3A_49 : vector<400x1xf32> to vector<400xf32>
    %broadcast_in_dim3A_51 = vector.shape_cast %squeeze3A_50 : vector<400xf32> to vector<400x1xf32>
    %broadcast_in_dim3A_52 = vector.shape_cast %broadcast_in_dim3A_51 : vector<400x1xf32> to vector<400x1xf32>
    %broadcast_in_dim3A_53 = vector.broadcast %broadcast_in_dim3A_52 : vector<400x1xf32> to vector<400x128xf32>
    %slice3A_54 = vector.extract_strided_slice %get3A_4 {offsets = [0, 10], sizes = [400, 1], strides = [1, 1]} : vector<400x128xf32> to vector<400x1xf32>
    %squeeze3A_55 = vector.shape_cast %slice3A_54 : vector<400x1xf32> to vector<400xf32>
    %broadcast_in_dim3A_56 = vector.shape_cast %squeeze3A_55 : vector<400xf32> to vector<400x1xf32>
    %broadcast_in_dim3A_57 = vector.shape_cast %broadcast_in_dim3A_56 : vector<400x1xf32> to vector<400x1xf32>
    %broadcast_in_dim3A_58 = vector.broadcast %broadcast_in_dim3A_57 : vector<400x1xf32> to vector<400x128xf32>
    %slice3A_59 = vector.extract_strided_slice %get3A_4 {offsets = [0, 11], sizes = [400, 1], strides = [1, 1]} : vector<400x128xf32> to vector<400x1xf32>
    %squeeze3A_60 = vector.shape_cast %slice3A_59 : vector<400x1xf32> to vector<400xf32>
    %broadcast_in_dim3A_61 = vector.shape_cast %squeeze3A_60 : vector<400xf32> to vector<400x1xf32>
    %broadcast_in_dim3A_62 = vector.shape_cast %broadcast_in_dim3A_61 : vector<400x1xf32> to vector<400x1xf32>
    %broadcast_in_dim3A_63 = vector.broadcast %broadcast_in_dim3A_62 : vector<400x1xf32> to vector<400x128xf32>
    %slice3A_64 = vector.extract_strided_slice %get3A_4 {offsets = [0, 12], sizes = [400, 1], strides = [1, 1]} : vector<400x128xf32> to vector<400x1xf32>
    %squeeze3A_65 = vector.shape_cast %slice3A_64 : vector<400x1xf32> to vector<400xf32>
    %broadcast_in_dim3A_66 = vector.shape_cast %squeeze3A_65 : vector<400xf32> to vector<400x1xf32>
    %broadcast_in_dim3A_67 = vector.shape_cast %broadcast_in_dim3A_66 : vector<400x1xf32> to vector<400x1xf32>
    %broadcast_in_dim3A_68 = vector.broadcast %broadcast_in_dim3A_67 : vector<400x1xf32> to vector<400x128xf32>
    %slice3A_69 = vector.extract_strided_slice %get3A_4 {offsets = [0, 13], sizes = [400, 1], strides = [1, 1]} : vector<400x128xf32> to vector<400x1xf32>
    %squeeze3A_70 = vector.shape_cast %slice3A_69 : vector<400x1xf32> to vector<400xf32>
    %broadcast_in_dim3A_71 = vector.shape_cast %squeeze3A_70 : vector<400xf32> to vector<400x1xf32>
    %broadcast_in_dim3A_72 = vector.shape_cast %broadcast_in_dim3A_71 : vector<400x1xf32> to vector<400x1xf32>
    %broadcast_in_dim3A_73 = vector.broadcast %broadcast_in_dim3A_72 : vector<400x1xf32> to vector<400x128xf32>
    %slice3A_74 = vector.extract_strided_slice %get3A_4 {offsets = [0, 14], sizes = [400, 1], strides = [1, 1]} : vector<400x128xf32> to vector<400x1xf32>
    %squeeze3A_75 = vector.shape_cast %slice3A_74 : vector<400x1xf32> to vector<400xf32>
    %broadcast_in_dim3A_76 = vector.shape_cast %squeeze3A_75 : vector<400xf32> to vector<400x1xf32>
    %broadcast_in_dim3A_77 = vector.shape_cast %broadcast_in_dim3A_76 : vector<400x1xf32> to vector<400x1xf32>
    %broadcast_in_dim3A_78 = vector.broadcast %broadcast_in_dim3A_77 : vector<400x1xf32> to vector<400x128xf32>
    %slice3A_79 = vector.extract_strided_slice %get3A_4 {offsets = [0, 15], sizes = [400, 1], strides = [1, 1]} : vector<400x128xf32> to vector<400x1xf32>
    %squeeze3A_80 = vector.shape_cast %slice3A_79 : vector<400x1xf32> to vector<400xf32>
    %broadcast_in_dim3A_81 = vector.shape_cast %squeeze3A_80 : vector<400xf32> to vector<400x1xf32>
    %broadcast_in_dim3A_82 = vector.shape_cast %broadcast_in_dim3A_81 : vector<400x1xf32> to vector<400x1xf32>
    %broadcast_in_dim3A_83 = vector.broadcast %broadcast_in_dim3A_82 : vector<400x1xf32> to vector<400x128xf32>
    %concatenate3A_84 = tpu.concatenate %broadcast_in_dim3A_8, %broadcast_in_dim3A_13, %broadcast_in_dim3A_18, %broadcast_in_dim3A_23, %broadcast_in_dim3A_28, %broadcast_in_dim3A_33, %broadcast_in_dim3A_38, %broadcast_in_dim3A_43, %broadcast_in_dim3A_48, %broadcast_in_dim3A_53, %broadcast_in_dim3A_58, %broadcast_in_dim3A_63, %broadcast_in_dim3A_68, %broadcast_in_dim3A_73, %broadcast_in_dim3A_78, %broadcast_in_dim3A_83 in 1 : vector<400x128xf32>, vector<400x128xf32>, vector<400x128xf32>, vector<400x128xf32>, vector<400x128xf32>, vector<400x128xf32>, vector<400x128xf32>, vector<400x128xf32>, vector<400x128xf32>, vector<400x128xf32>, vector<400x128xf32>, vector<400x128xf32>, vector<400x128xf32>, vector<400x128xf32>, vector<400x128xf32>, vector<400x128xf32> -> vector<400x2048xf32>
    %mul3A = arith.mulf %concatenate3A_84, %concatenate3A : vector<400x2048xf32>
    %get3A_85 = arith.constant 0 : index
    %get3A_86 = arith.constant 0 : index
    %get3A_87 = vector.load %arg3[%get3A_85, %get3A_86] : memref<16384x128xf32, #tpu.memory_space<vmem>>, vector<2048x128xf32>
    %dot_general3A = arith.constant dense<0.000000e+00> : vector<400x128xf32>
    %dot_general3A_88 = tpu.matmul %mul3A, %get3A_87, %dot_general3A {dimension_numbers = #tpu.dot_dimension_numbers<[1], [0], [0], [1], [0, 0, 1, 1], [], []>, transpose_lhs_hint = false} : vector<400x2048xf32>, vector<2048x128xf32>, vector<400x128xf32> -> vector<400x128xf32>
    %add3A = arith.addf %broadcast_in_dim3A_5, %dot_general3A_88 : vector<400x128xf32>
    %slice3A_89 = vector.extract_strided_slice %get3A_4 {offsets = [0, 16], sizes = [400, 1], strides = [1, 1]} : vector<400x128xf32> to vector<400x1xf32>
    %squeeze3A_90 = vector.shape_cast %slice3A_89 : vector<400x1xf32> to vector<400xf32>
    %broadcast_in_dim3A_91 = vector.shape_cast %squeeze3A_90 : vector<400xf32> to vector<400x1xf32>
    %broadcast_in_dim3A_92 = vector.shape_cast %broadcast_in_dim3A_91 : vector<400x1xf32> to vector<400x1xf32>
    %broadcast_in_dim3A_93 = vector.broadcast %broadcast_in_dim3A_92 : vector<400x1xf32> to vector<400x128xf32>
    %slice3A_94 = vector.extract_strided_slice %get3A_4 {offsets = [0, 17], sizes = [400, 1], strides = [1, 1]} : vector<400x128xf32> to vector<400x1xf32>
    %squeeze3A_95 = vector.shape_cast %slice3A_94 : vector<400x1xf32> to vector<400xf32>
    %broadcast_in_dim3A_96 = vector.shape_cast %squeeze3A_95 : vector<400xf32> to vector<400x1xf32>
    %broadcast_in_dim3A_97 = vector.shape_cast %broadcast_in_dim3A_96 : vector<400x1xf32> to vector<400x1xf32>
    %broadcast_in_dim3A_98 = vector.broadcast %broadcast_in_dim3A_97 : vector<400x1xf32> to vector<400x128xf32>
    %slice3A_99 = vector.extract_strided_slice %get3A_4 {offsets = [0, 18], sizes = [400, 1], strides = [1, 1]} : vector<400x128xf32> to vector<400x1xf32>
    %squeeze3A_100 = vector.shape_cast %slice3A_99 : vector<400x1xf32> to vector<400xf32>
    %broadcast_in_dim3A_101 = vector.shape_cast %squeeze3A_100 : vector<400xf32> to vector<400x1xf32>
    %broadcast_in_dim3A_102 = vector.shape_cast %broadcast_in_dim3A_101 : vector<400x1xf32> to vector<400x1xf32>
    %broadcast_in_dim3A_103 = vector.broadcast %broadcast_in_dim3A_102 : vector<400x1xf32> to vector<400x128xf32>
    %slice3A_104 = vector.extract_strided_slice %get3A_4 {offsets = [0, 19], sizes = [400, 1], strides = [1, 1]} : vector<400x128xf32> to vector<400x1xf32>
    %squeeze3A_105 = vector.shape_cast %slice3A_104 : vector<400x1xf32> to vector<400xf32>
    %broadcast_in_dim3A_106 = vector.shape_cast %squeeze3A_105 : vector<400xf32> to vector<400x1xf32>
    %broadcast_in_dim3A_107 = vector.shape_cast %broadcast_in_dim3A_106 : vector<400x1xf32> to vector<400x1xf32>
    %broadcast_in_dim3A_108 = vector.broadcast %broadcast_in_dim3A_107 : vector<400x1xf32> to vector<400x128xf32>
    %slice3A_109 = vector.extract_strided_slice %get3A_4 {offsets = [0, 20], sizes = [400, 1], strides = [1, 1]} : vector<400x128xf32> to vector<400x1xf32>
    %squeeze3A_110 = vector.shape_cast %slice3A_109 : vector<400x1xf32> to vector<400xf32>
    %broadcast_in_dim3A_111 = vector.shape_cast %squeeze3A_110 : vector<400xf32> to vector<400x1xf32>
    %broadcast_in_dim3A_112 = vector.shape_cast %broadcast_in_dim3A_111 : vector<400x1xf32> to vector<400x1xf32>
    %broadcast_in_dim3A_113 = vector.broadcast %broadcast_in_dim3A_112 : vector<400x1xf32> to vector<400x128xf32>
    %slice3A_114 = vector.extract_strided_slice %get3A_4 {offsets = [0, 21], sizes = [400, 1], strides = [1, 1]} : vector<400x128xf32> to vector<400x1xf32>
    %squeeze3A_115 = vector.shape_cast %slice3A_114 : vector<400x1xf32> to vector<400xf32>
    %broadcast_in_dim3A_116 = vector.shape_cast %squeeze3A_115 : vector<400xf32> to vector<400x1xf32>
    %broadcast_in_dim3A_117 = vector.shape_cast %broadcast_in_dim3A_116 : vector<400x1xf32> to vector<400x1xf32>
    %broadcast_in_dim3A_118 = vector.broadcast %broadcast_in_dim3A_117 : vector<400x1xf32> to vector<400x128xf32>
    %slice3A_119 = vector.extract_strided_slice %get3A_4 {offsets = [0, 22], sizes = [400, 1], strides = [1, 1]} : vector<400x128xf32> to vector<400x1xf32>
    %squeeze3A_120 = vector.shape_cast %slice3A_119 : vector<400x1xf32> to vector<400xf32>
    %broadcast_in_dim3A_121 = vector.shape_cast %squeeze3A_120 : vector<400xf32> to vector<400x1xf32>
    %broadcast_in_dim3A_122 = vector.shape_cast %broadcast_in_dim3A_121 : vector<400x1xf32> to vector<400x1xf32>
    %broadcast_in_dim3A_123 = vector.broadcast %broadcast_in_dim3A_122 : vector<400x1xf32> to vector<400x128xf32>
    %slice3A_124 = vector.extract_strided_slice %get3A_4 {offsets = [0, 23], sizes = [400, 1], strides = [1, 1]} : vector<400x128xf32> to vector<400x1xf32>
    %squeeze3A_125 = vector.shape_cast %slice3A_124 : vector<400x1xf32> to vector<400xf32>
    %broadcast_in_dim3A_126 = vector.shape_cast %squeeze3A_125 : vector<400xf32> to vector<400x1xf32>
    %broadcast_in_dim3A_127 = vector.shape_cast %broadcast_in_dim3A_126 : vector<400x1xf32> to vector<400x1xf32>
    %broadcast_in_dim3A_128 = vector.broadcast %broadcast_in_dim3A_127 : vector<400x1xf32> to vector<400x128xf32>
    %slice3A_129 = vector.extract_strided_slice %get3A_4 {offsets = [0, 24], sizes = [400, 1], strides = [1, 1]} : vector<400x128xf32> to vector<400x1xf32>
    %squeeze3A_130 = vector.shape_cast %slice3A_129 : vector<400x1xf32> to vector<400xf32>
    %broadcast_in_dim3A_131 = vector.shape_cast %squeeze3A_130 : vector<400xf32> to vector<400x1xf32>
    %broadcast_in_dim3A_132 = vector.shape_cast %broadcast_in_dim3A_131 : vector<400x1xf32> to vector<400x1xf32>
    %broadcast_in_dim3A_133 = vector.broadcast %broadcast_in_dim3A_132 : vector<400x1xf32> to vector<400x128xf32>
    %slice3A_134 = vector.extract_strided_slice %get3A_4 {offsets = [0, 25], sizes = [400, 1], strides = [1, 1]} : vector<400x128xf32> to vector<400x1xf32>
    %squeeze3A_135 = vector.shape_cast %slice3A_134 : vector<400x1xf32> to vector<400xf32>
    %broadcast_in_dim3A_136 = vector.shape_cast %squeeze3A_135 : vector<400xf32> to vector<400x1xf32>
    %broadcast_in_dim3A_137 = vector.shape_cast %broadcast_in_dim3A_136 : vector<400x1xf32> to vector<400x1xf32>
    %broadcast_in_dim3A_138 = vector.broadcast %broadcast_in_dim3A_137 : vector<400x1xf32> to vector<400x128xf32>
    %slice3A_139 = vector.extract_strided_slice %get3A_4 {offsets = [0, 26], sizes = [400, 1], strides = [1, 1]} : vector<400x128xf32> to vector<400x1xf32>
    %squeeze3A_140 = vector.shape_cast %slice3A_139 : vector<400x1xf32> to vector<400xf32>
    %broadcast_in_dim3A_141 = vector.shape_cast %squeeze3A_140 : vector<400xf32> to vector<400x1xf32>
    %broadcast_in_dim3A_142 = vector.shape_cast %broadcast_in_dim3A_141 : vector<400x1xf32> to vector<400x1xf32>
    %broadcast_in_dim3A_143 = vector.broadcast %broadcast_in_dim3A_142 : vector<400x1xf32> to vector<400x128xf32>
    %slice3A_144 = vector.extract_strided_slice %get3A_4 {offsets = [0, 27], sizes = [400, 1], strides = [1, 1]} : vector<400x128xf32> to vector<400x1xf32>
    %squeeze3A_145 = vector.shape_cast %slice3A_144 : vector<400x1xf32> to vector<400xf32>
    %broadcast_in_dim3A_146 = vector.shape_cast %squeeze3A_145 : vector<400xf32> to vector<400x1xf32>
    %broadcast_in_dim3A_147 = vector.shape_cast %broadcast_in_dim3A_146 : vector<400x1xf32> to vector<400x1xf32>
    %broadcast_in_dim3A_148 = vector.broadcast %broadcast_in_dim3A_147 : vector<400x1xf32> to vector<400x128xf32>
    %slice3A_149 = vector.extract_strided_slice %get3A_4 {offsets = [0, 28], sizes = [400, 1], strides = [1, 1]} : vector<400x128xf32> to vector<400x1xf32>
    %squeeze3A_150 = vector.shape_cast %slice3A_149 : vector<400x1xf32> to vector<400xf32>
    %broadcast_in_dim3A_151 = vector.shape_cast %squeeze3A_150 : vector<400xf32> to vector<400x1xf32>
    %broadcast_in_dim3A_152 = vector.shape_cast %broadcast_in_dim3A_151 : vector<400x1xf32> to vector<400x1xf32>
    %broadcast_in_dim3A_153 = vector.broadcast %broadcast_in_dim3A_152 : vector<400x1xf32> to vector<400x128xf32>
    %slice3A_154 = vector.extract_strided_slice %get3A_4 {offsets = [0, 29], sizes = [400, 1], strides = [1, 1]} : vector<400x128xf32> to vector<400x1xf32>
    %squeeze3A_155 = vector.shape_cast %slice3A_154 : vector<400x1xf32> to vector<400xf32>
    %broadcast_in_dim3A_156 = vector.shape_cast %squeeze3A_155 : vector<400xf32> to vector<400x1xf32>
    %broadcast_in_dim3A_157 = vector.shape_cast %broadcast_in_dim3A_156 : vector<400x1xf32> to vector<400x1xf32>
    %broadcast_in_dim3A_158 = vector.broadcast %broadcast_in_dim3A_157 : vector<400x1xf32> to vector<400x128xf32>
    %slice3A_159 = vector.extract_strided_slice %get3A_4 {offsets = [0, 30], sizes = [400, 1], strides = [1, 1]} : vector<400x128xf32> to vector<400x1xf32>
    %squeeze3A_160 = vector.shape_cast %slice3A_159 : vector<400x1xf32> to vector<400xf32>
    %broadcast_in_dim3A_161 = vector.shape_cast %squeeze3A_160 : vector<400xf32> to vector<400x1xf32>
    %broadcast_in_dim3A_162 = vector.shape_cast %broadcast_in_dim3A_161 : vector<400x1xf32> to vector<400x1xf32>
    %broadcast_in_dim3A_163 = vector.broadcast %broadcast_in_dim3A_162 : vector<400x1xf32> to vector<400x128xf32>
    %slice3A_164 = vector.extract_strided_slice %get3A_4 {offsets = [0, 31], sizes = [400, 1], strides = [1, 1]} : vector<400x128xf32> to vector<400x1xf32>
    %squeeze3A_165 = vector.shape_cast %slice3A_164 : vector<400x1xf32> to vector<400xf32>
    %broadcast_in_dim3A_166 = vector.shape_cast %squeeze3A_165 : vector<400xf32> to vector<400x1xf32>
    %broadcast_in_dim3A_167 = vector.shape_cast %broadcast_in_dim3A_166 : vector<400x1xf32> to vector<400x1xf32>
    %broadcast_in_dim3A_168 = vector.broadcast %broadcast_in_dim3A_167 : vector<400x1xf32> to vector<400x128xf32>
    %concatenate3A_169 = tpu.concatenate %broadcast_in_dim3A_93, %broadcast_in_dim3A_98, %broadcast_in_dim3A_103, %broadcast_in_dim3A_108, %broadcast_in_dim3A_113, %broadcast_in_dim3A_118, %broadcast_in_dim3A_123, %broadcast_in_dim3A_128, %broadcast_in_dim3A_133, %broadcast_in_dim3A_138, %broadcast_in_dim3A_143, %broadcast_in_dim3A_148, %broadcast_in_dim3A_153, %broadcast_in_dim3A_158, %broadcast_in_dim3A_163, %broadcast_in_dim3A_168 in 1 : vector<400x128xf32>, vector<400x128xf32>, vector<400x128xf32>, vector<400x128xf32>, vector<400x128xf32>, vector<400x128xf32>, vector<400x128xf32>, vector<400x128xf32>, vector<400x128xf32>, vector<400x128xf32>, vector<400x128xf32>, vector<400x128xf32>, vector<400x128xf32>, vector<400x128xf32>, vector<400x128xf32>, vector<400x128xf32> -> vector<400x2048xf32>
    %mul3A_170 = arith.mulf %concatenate3A_169, %concatenate3A : vector<400x2048xf32>
    %get3A_171 = arith.constant 2048 : index
    %get3A_172 = arith.constant 0 : index
    %get3A_173 = vector.load %arg3[%get3A_171, %get3A_172] : memref<16384x128xf32, #tpu.memory_space<vmem>>, vector<2048x128xf32>
    %dot_general3A_174 = arith.constant dense<0.000000e+00> : vector<400x128xf32>
    %dot_general3A_175 = tpu.matmul %mul3A_170, %get3A_173, %dot_general3A_174 {dimension_numbers = #tpu.dot_dimension_numbers<[1], [0], [0], [1], [0, 0, 1, 1], [], []>, transpose_lhs_hint = false} : vector<400x2048xf32>, vector<2048x128xf32>, vector<400x128xf32> -> vector<400x128xf32>
    %add3A_176 = arith.addf %add3A, %dot_general3A_175 : vector<400x128xf32>
    %slice3A_177 = vector.extract_strided_slice %get3A_4 {offsets = [0, 32], sizes = [400, 1], strides = [1, 1]} : vector<400x128xf32> to vector<400x1xf32>
    %squeeze3A_178 = vector.shape_cast %slice3A_177 : vector<400x1xf32> to vector<400xf32>
    %broadcast_in_dim3A_179 = vector.shape_cast %squeeze3A_178 : vector<400xf32> to vector<400x1xf32>
    %broadcast_in_dim3A_180 = vector.shape_cast %broadcast_in_dim3A_179 : vector<400x1xf32> to vector<400x1xf32>
    %broadcast_in_dim3A_181 = vector.broadcast %broadcast_in_dim3A_180 : vector<400x1xf32> to vector<400x128xf32>
    %slice3A_182 = vector.extract_strided_slice %get3A_4 {offsets = [0, 33], sizes = [400, 1], strides = [1, 1]} : vector<400x128xf32> to vector<400x1xf32>
    %squeeze3A_183 = vector.shape_cast %slice3A_182 : vector<400x1xf32> to vector<400xf32>
    %broadcast_in_dim3A_184 = vector.shape_cast %squeeze3A_183 : vector<400xf32> to vector<400x1xf32>
    %broadcast_in_dim3A_185 = vector.shape_cast %broadcast_in_dim3A_184 : vector<400x1xf32> to vector<400x1xf32>
    %broadcast_in_dim3A_186 = vector.broadcast %broadcast_in_dim3A_185 : vector<400x1xf32> to vector<400x128xf32>
    %slice3A_187 = vector.extract_strided_slice %get3A_4 {offsets = [0, 34], sizes = [400, 1], strides = [1, 1]} : vector<400x128xf32> to vector<400x1xf32>
    %squeeze3A_188 = vector.shape_cast %slice3A_187 : vector<400x1xf32> to vector<400xf32>
    %broadcast_in_dim3A_189 = vector.shape_cast %squeeze3A_188 : vector<400xf32> to vector<400x1xf32>
    %broadcast_in_dim3A_190 = vector.shape_cast %broadcast_in_dim3A_189 : vector<400x1xf32> to vector<400x1xf32>
    %broadcast_in_dim3A_191 = vector.broadcast %broadcast_in_dim3A_190 : vector<400x1xf32> to vector<400x128xf32>
    %slice3A_192 = vector.extract_strided_slice %get3A_4 {offsets = [0, 35], sizes = [400, 1], strides = [1, 1]} : vector<400x128xf32> to vector<400x1xf32>
    %squeeze3A_193 = vector.shape_cast %slice3A_192 : vector<400x1xf32> to vector<400xf32>
    %broadcast_in_dim3A_194 = vector.shape_cast %squeeze3A_193 : vector<400xf32> to vector<400x1xf32>
    %broadcast_in_dim3A_195 = vector.shape_cast %broadcast_in_dim3A_194 : vector<400x1xf32> to vector<400x1xf32>
    %broadcast_in_dim3A_196 = vector.broadcast %broadcast_in_dim3A_195 : vector<400x1xf32> to vector<400x128xf32>
    %slice3A_197 = vector.extract_strided_slice %get3A_4 {offsets = [0, 36], sizes = [400, 1], strides = [1, 1]} : vector<400x128xf32> to vector<400x1xf32>
    %squeeze3A_198 = vector.shape_cast %slice3A_197 : vector<400x1xf32> to vector<400xf32>
    %broadcast_in_dim3A_199 = vector.shape_cast %squeeze3A_198 : vector<400xf32> to vector<400x1xf32>
    %broadcast_in_dim3A_200 = vector.shape_cast %broadcast_in_dim3A_199 : vector<400x1xf32> to vector<400x1xf32>
    %broadcast_in_dim3A_201 = vector.broadcast %broadcast_in_dim3A_200 : vector<400x1xf32> to vector<400x128xf32>
    %slice3A_202 = vector.extract_strided_slice %get3A_4 {offsets = [0, 37], sizes = [400, 1], strides = [1, 1]} : vector<400x128xf32> to vector<400x1xf32>
    %squeeze3A_203 = vector.shape_cast %slice3A_202 : vector<400x1xf32> to vector<400xf32>
    %broadcast_in_dim3A_204 = vector.shape_cast %squeeze3A_203 : vector<400xf32> to vector<400x1xf32>
    %broadcast_in_dim3A_205 = vector.shape_cast %broadcast_in_dim3A_204 : vector<400x1xf32> to vector<400x1xf32>
    %broadcast_in_dim3A_206 = vector.broadcast %broadcast_in_dim3A_205 : vector<400x1xf32> to vector<400x128xf32>
    %slice3A_207 = vector.extract_strided_slice %get3A_4 {offsets = [0, 38], sizes = [400, 1], strides = [1, 1]} : vector<400x128xf32> to vector<400x1xf32>
    %squeeze3A_208 = vector.shape_cast %slice3A_207 : vector<400x1xf32> to vector<400xf32>
    %broadcast_in_dim3A_209 = vector.shape_cast %squeeze3A_208 : vector<400xf32> to vector<400x1xf32>
    %broadcast_in_dim3A_210 = vector.shape_cast %broadcast_in_dim3A_209 : vector<400x1xf32> to vector<400x1xf32>
    %broadcast_in_dim3A_211 = vector.broadcast %broadcast_in_dim3A_210 : vector<400x1xf32> to vector<400x128xf32>
    %slice3A_212 = vector.extract_strided_slice %get3A_4 {offsets = [0, 39], sizes = [400, 1], strides = [1, 1]} : vector<400x128xf32> to vector<400x1xf32>
    %squeeze3A_213 = vector.shape_cast %slice3A_212 : vector<400x1xf32> to vector<400xf32>
    %broadcast_in_dim3A_214 = vector.shape_cast %squeeze3A_213 : vector<400xf32> to vector<400x1xf32>
    %broadcast_in_dim3A_215 = vector.shape_cast %broadcast_in_dim3A_214 : vector<400x1xf32> to vector<400x1xf32>
    %broadcast_in_dim3A_216 = vector.broadcast %broadcast_in_dim3A_215 : vector<400x1xf32> to vector<400x128xf32>
    %slice3A_217 = vector.extract_strided_slice %get3A_4 {offsets = [0, 40], sizes = [400, 1], strides = [1, 1]} : vector<400x128xf32> to vector<400x1xf32>
    %squeeze3A_218 = vector.shape_cast %slice3A_217 : vector<400x1xf32> to vector<400xf32>
    %broadcast_in_dim3A_219 = vector.shape_cast %squeeze3A_218 : vector<400xf32> to vector<400x1xf32>
    %broadcast_in_dim3A_220 = vector.shape_cast %broadcast_in_dim3A_219 : vector<400x1xf32> to vector<400x1xf32>
    %broadcast_in_dim3A_221 = vector.broadcast %broadcast_in_dim3A_220 : vector<400x1xf32> to vector<400x128xf32>
    %slice3A_222 = vector.extract_strided_slice %get3A_4 {offsets = [0, 41], sizes = [400, 1], strides = [1, 1]} : vector<400x128xf32> to vector<400x1xf32>
    %squeeze3A_223 = vector.shape_cast %slice3A_222 : vector<400x1xf32> to vector<400xf32>
    %broadcast_in_dim3A_224 = vector.shape_cast %squeeze3A_223 : vector<400xf32> to vector<400x1xf32>
    %broadcast_in_dim3A_225 = vector.shape_cast %broadcast_in_dim3A_224 : vector<400x1xf32> to vector<400x1xf32>
    %broadcast_in_dim3A_226 = vector.broadcast %broadcast_in_dim3A_225 : vector<400x1xf32> to vector<400x128xf32>
    %slice3A_227 = vector.extract_strided_slice %get3A_4 {offsets = [0, 42], sizes = [400, 1], strides = [1, 1]} : vector<400x128xf32> to vector<400x1xf32>
    %squeeze3A_228 = vector.shape_cast %slice3A_227 : vector<400x1xf32> to vector<400xf32>
    %broadcast_in_dim3A_229 = vector.shape_cast %squeeze3A_228 : vector<400xf32> to vector<400x1xf32>
    %broadcast_in_dim3A_230 = vector.shape_cast %broadcast_in_dim3A_229 : vector<400x1xf32> to vector<400x1xf32>
    %broadcast_in_dim3A_231 = vector.broadcast %broadcast_in_dim3A_230 : vector<400x1xf32> to vector<400x128xf32>
    %slice3A_232 = vector.extract_strided_slice %get3A_4 {offsets = [0, 43], sizes = [400, 1], strides = [1, 1]} : vector<400x128xf32> to vector<400x1xf32>
    %squeeze3A_233 = vector.shape_cast %slice3A_232 : vector<400x1xf32> to vector<400xf32>
    %broadcast_in_dim3A_234 = vector.shape_cast %squeeze3A_233 : vector<400xf32> to vector<400x1xf32>
    %broadcast_in_dim3A_235 = vector.shape_cast %broadcast_in_dim3A_234 : vector<400x1xf32> to vector<400x1xf32>
    %broadcast_in_dim3A_236 = vector.broadcast %broadcast_in_dim3A_235 : vector<400x1xf32> to vector<400x128xf32>
    %slice3A_237 = vector.extract_strided_slice %get3A_4 {offsets = [0, 44], sizes = [400, 1], strides = [1, 1]} : vector<400x128xf32> to vector<400x1xf32>
    %squeeze3A_238 = vector.shape_cast %slice3A_237 : vector<400x1xf32> to vector<400xf32>
    %broadcast_in_dim3A_239 = vector.shape_cast %squeeze3A_238 : vector<400xf32> to vector<400x1xf32>
    %broadcast_in_dim3A_240 = vector.shape_cast %broadcast_in_dim3A_239 : vector<400x1xf32> to vector<400x1xf32>
    %broadcast_in_dim3A_241 = vector.broadcast %broadcast_in_dim3A_240 : vector<400x1xf32> to vector<400x128xf32>
    %slice3A_242 = vector.extract_strided_slice %get3A_4 {offsets = [0, 45], sizes = [400, 1], strides = [1, 1]} : vector<400x128xf32> to vector<400x1xf32>
    %squeeze3A_243 = vector.shape_cast %slice3A_242 : vector<400x1xf32> to vector<400xf32>
    %broadcast_in_dim3A_244 = vector.shape_cast %squeeze3A_243 : vector<400xf32> to vector<400x1xf32>
    %broadcast_in_dim3A_245 = vector.shape_cast %broadcast_in_dim3A_244 : vector<400x1xf32> to vector<400x1xf32>
    %broadcast_in_dim3A_246 = vector.broadcast %broadcast_in_dim3A_245 : vector<400x1xf32> to vector<400x128xf32>
    %slice3A_247 = vector.extract_strided_slice %get3A_4 {offsets = [0, 46], sizes = [400, 1], strides = [1, 1]} : vector<400x128xf32> to vector<400x1xf32>
    %squeeze3A_248 = vector.shape_cast %slice3A_247 : vector<400x1xf32> to vector<400xf32>
    %broadcast_in_dim3A_249 = vector.shape_cast %squeeze3A_248 : vector<400xf32> to vector<400x1xf32>
    %broadcast_in_dim3A_250 = vector.shape_cast %broadcast_in_dim3A_249 : vector<400x1xf32> to vector<400x1xf32>
    %broadcast_in_dim3A_251 = vector.broadcast %broadcast_in_dim3A_250 : vector<400x1xf32> to vector<400x128xf32>
    %slice3A_252 = vector.extract_strided_slice %get3A_4 {offsets = [0, 47], sizes = [400, 1], strides = [1, 1]} : vector<400x128xf32> to vector<400x1xf32>
    %squeeze3A_253 = vector.shape_cast %slice3A_252 : vector<400x1xf32> to vector<400xf32>
    %broadcast_in_dim3A_254 = vector.shape_cast %squeeze3A_253 : vector<400xf32> to vector<400x1xf32>
    %broadcast_in_dim3A_255 = vector.shape_cast %broadcast_in_dim3A_254 : vector<400x1xf32> to vector<400x1xf32>
    %broadcast_in_dim3A_256 = vector.broadcast %broadcast_in_dim3A_255 : vector<400x1xf32> to vector<400x128xf32>
    %concatenate3A_257 = tpu.concatenate %broadcast_in_dim3A_181, %broadcast_in_dim3A_186, %broadcast_in_dim3A_191, %broadcast_in_dim3A_196, %broadcast_in_dim3A_201, %broadcast_in_dim3A_206, %broadcast_in_dim3A_211, %broadcast_in_dim3A_216, %broadcast_in_dim3A_221, %broadcast_in_dim3A_226, %broadcast_in_dim3A_231, %broadcast_in_dim3A_236, %broadcast_in_dim3A_241, %broadcast_in_dim3A_246, %broadcast_in_dim3A_251, %broadcast_in_dim3A_256 in 1 : vector<400x128xf32>, vector<400x128xf32>, vector<400x128xf32>, vector<400x128xf32>, vector<400x128xf32>, vector<400x128xf32>, vector<400x128xf32>, vector<400x128xf32>, vector<400x128xf32>, vector<400x128xf32>, vector<400x128xf32>, vector<400x128xf32>, vector<400x128xf32>, vector<400x128xf32>, vector<400x128xf32>, vector<400x128xf32> -> vector<400x2048xf32>
    %mul3A_258 = arith.mulf %concatenate3A_257, %concatenate3A : vector<400x2048xf32>
    %get3A_259 = arith.constant 4096 : index
    %get3A_260 = arith.constant 0 : index
    %get3A_261 = vector.load %arg3[%get3A_259, %get3A_260] : memref<16384x128xf32, #tpu.memory_space<vmem>>, vector<2048x128xf32>
    %dot_general3A_262 = arith.constant dense<0.000000e+00> : vector<400x128xf32>
    %dot_general3A_263 = tpu.matmul %mul3A_258, %get3A_261, %dot_general3A_262 {dimension_numbers = #tpu.dot_dimension_numbers<[1], [0], [0], [1], [0, 0, 1, 1], [], []>, transpose_lhs_hint = false} : vector<400x2048xf32>, vector<2048x128xf32>, vector<400x128xf32> -> vector<400x128xf32>
    %add3A_264 = arith.addf %add3A_176, %dot_general3A_263 : vector<400x128xf32>
    %slice3A_265 = vector.extract_strided_slice %get3A_4 {offsets = [0, 48], sizes = [400, 1], strides = [1, 1]} : vector<400x128xf32> to vector<400x1xf32>
    %squeeze3A_266 = vector.shape_cast %slice3A_265 : vector<400x1xf32> to vector<400xf32>
    %broadcast_in_dim3A_267 = vector.shape_cast %squeeze3A_266 : vector<400xf32> to vector<400x1xf32>
    %broadcast_in_dim3A_268 = vector.shape_cast %broadcast_in_dim3A_267 : vector<400x1xf32> to vector<400x1xf32>
    %broadcast_in_dim3A_269 = vector.broadcast %broadcast_in_dim3A_268 : vector<400x1xf32> to vector<400x128xf32>
    %slice3A_270 = vector.extract_strided_slice %get3A_4 {offsets = [0, 49], sizes = [400, 1], strides = [1, 1]} : vector<400x128xf32> to vector<400x1xf32>
    %squeeze3A_271 = vector.shape_cast %slice3A_270 : vector<400x1xf32> to vector<400xf32>
    %broadcast_in_dim3A_272 = vector.shape_cast %squeeze3A_271 : vector<400xf32> to vector<400x1xf32>
    %broadcast_in_dim3A_273 = vector.shape_cast %broadcast_in_dim3A_272 : vector<400x1xf32> to vector<400x1xf32>
    %broadcast_in_dim3A_274 = vector.broadcast %broadcast_in_dim3A_273 : vector<400x1xf32> to vector<400x128xf32>
    %slice3A_275 = vector.extract_strided_slice %get3A_4 {offsets = [0, 50], sizes = [400, 1], strides = [1, 1]} : vector<400x128xf32> to vector<400x1xf32>
    %squeeze3A_276 = vector.shape_cast %slice3A_275 : vector<400x1xf32> to vector<400xf32>
    %broadcast_in_dim3A_277 = vector.shape_cast %squeeze3A_276 : vector<400xf32> to vector<400x1xf32>
    %broadcast_in_dim3A_278 = vector.shape_cast %broadcast_in_dim3A_277 : vector<400x1xf32> to vector<400x1xf32>
    %broadcast_in_dim3A_279 = vector.broadcast %broadcast_in_dim3A_278 : vector<400x1xf32> to vector<400x128xf32>
    %slice3A_280 = vector.extract_strided_slice %get3A_4 {offsets = [0, 51], sizes = [400, 1], strides = [1, 1]} : vector<400x128xf32> to vector<400x1xf32>
    %squeeze3A_281 = vector.shape_cast %slice3A_280 : vector<400x1xf32> to vector<400xf32>
    %broadcast_in_dim3A_282 = vector.shape_cast %squeeze3A_281 : vector<400xf32> to vector<400x1xf32>
    %broadcast_in_dim3A_283 = vector.shape_cast %broadcast_in_dim3A_282 : vector<400x1xf32> to vector<400x1xf32>
    %broadcast_in_dim3A_284 = vector.broadcast %broadcast_in_dim3A_283 : vector<400x1xf32> to vector<400x128xf32>
    %slice3A_285 = vector.extract_strided_slice %get3A_4 {offsets = [0, 52], sizes = [400, 1], strides = [1, 1]} : vector<400x128xf32> to vector<400x1xf32>
    %squeeze3A_286 = vector.shape_cast %slice3A_285 : vector<400x1xf32> to vector<400xf32>
    %broadcast_in_dim3A_287 = vector.shape_cast %squeeze3A_286 : vector<400xf32> to vector<400x1xf32>
    %broadcast_in_dim3A_288 = vector.shape_cast %broadcast_in_dim3A_287 : vector<400x1xf32> to vector<400x1xf32>
    %broadcast_in_dim3A_289 = vector.broadcast %broadcast_in_dim3A_288 : vector<400x1xf32> to vector<400x128xf32>
    %slice3A_290 = vector.extract_strided_slice %get3A_4 {offsets = [0, 53], sizes = [400, 1], strides = [1, 1]} : vector<400x128xf32> to vector<400x1xf32>
    %squeeze3A_291 = vector.shape_cast %slice3A_290 : vector<400x1xf32> to vector<400xf32>
    %broadcast_in_dim3A_292 = vector.shape_cast %squeeze3A_291 : vector<400xf32> to vector<400x1xf32>
    %broadcast_in_dim3A_293 = vector.shape_cast %broadcast_in_dim3A_292 : vector<400x1xf32> to vector<400x1xf32>
    %broadcast_in_dim3A_294 = vector.broadcast %broadcast_in_dim3A_293 : vector<400x1xf32> to vector<400x128xf32>
    %slice3A_295 = vector.extract_strided_slice %get3A_4 {offsets = [0, 54], sizes = [400, 1], strides = [1, 1]} : vector<400x128xf32> to vector<400x1xf32>
    %squeeze3A_296 = vector.shape_cast %slice3A_295 : vector<400x1xf32> to vector<400xf32>
    %broadcast_in_dim3A_297 = vector.shape_cast %squeeze3A_296 : vector<400xf32> to vector<400x1xf32>
    %broadcast_in_dim3A_298 = vector.shape_cast %broadcast_in_dim3A_297 : vector<400x1xf32> to vector<400x1xf32>
    %broadcast_in_dim3A_299 = vector.broadcast %broadcast_in_dim3A_298 : vector<400x1xf32> to vector<400x128xf32>
    %slice3A_300 = vector.extract_strided_slice %get3A_4 {offsets = [0, 55], sizes = [400, 1], strides = [1, 1]} : vector<400x128xf32> to vector<400x1xf32>
    %squeeze3A_301 = vector.shape_cast %slice3A_300 : vector<400x1xf32> to vector<400xf32>
    %broadcast_in_dim3A_302 = vector.shape_cast %squeeze3A_301 : vector<400xf32> to vector<400x1xf32>
    %broadcast_in_dim3A_303 = vector.shape_cast %broadcast_in_dim3A_302 : vector<400x1xf32> to vector<400x1xf32>
    %broadcast_in_dim3A_304 = vector.broadcast %broadcast_in_dim3A_303 : vector<400x1xf32> to vector<400x128xf32>
    %slice3A_305 = vector.extract_strided_slice %get3A_4 {offsets = [0, 56], sizes = [400, 1], strides = [1, 1]} : vector<400x128xf32> to vector<400x1xf32>
    %squeeze3A_306 = vector.shape_cast %slice3A_305 : vector<400x1xf32> to vector<400xf32>
    %broadcast_in_dim3A_307 = vector.shape_cast %squeeze3A_306 : vector<400xf32> to vector<400x1xf32>
    %broadcast_in_dim3A_308 = vector.shape_cast %broadcast_in_dim3A_307 : vector<400x1xf32> to vector<400x1xf32>
    %broadcast_in_dim3A_309 = vector.broadcast %broadcast_in_dim3A_308 : vector<400x1xf32> to vector<400x128xf32>
    %slice3A_310 = vector.extract_strided_slice %get3A_4 {offsets = [0, 57], sizes = [400, 1], strides = [1, 1]} : vector<400x128xf32> to vector<400x1xf32>
    %squeeze3A_311 = vector.shape_cast %slice3A_310 : vector<400x1xf32> to vector<400xf32>
    %broadcast_in_dim3A_312 = vector.shape_cast %squeeze3A_311 : vector<400xf32> to vector<400x1xf32>
    %broadcast_in_dim3A_313 = vector.shape_cast %broadcast_in_dim3A_312 : vector<400x1xf32> to vector<400x1xf32>
    %broadcast_in_dim3A_314 = vector.broadcast %broadcast_in_dim3A_313 : vector<400x1xf32> to vector<400x128xf32>
    %slice3A_315 = vector.extract_strided_slice %get3A_4 {offsets = [0, 58], sizes = [400, 1], strides = [1, 1]} : vector<400x128xf32> to vector<400x1xf32>
    %squeeze3A_316 = vector.shape_cast %slice3A_315 : vector<400x1xf32> to vector<400xf32>
    %broadcast_in_dim3A_317 = vector.shape_cast %squeeze3A_316 : vector<400xf32> to vector<400x1xf32>
    %broadcast_in_dim3A_318 = vector.shape_cast %broadcast_in_dim3A_317 : vector<400x1xf32> to vector<400x1xf32>
    %broadcast_in_dim3A_319 = vector.broadcast %broadcast_in_dim3A_318 : vector<400x1xf32> to vector<400x128xf32>
    %slice3A_320 = vector.extract_strided_slice %get3A_4 {offsets = [0, 59], sizes = [400, 1], strides = [1, 1]} : vector<400x128xf32> to vector<400x1xf32>
    %squeeze3A_321 = vector.shape_cast %slice3A_320 : vector<400x1xf32> to vector<400xf32>
    %broadcast_in_dim3A_322 = vector.shape_cast %squeeze3A_321 : vector<400xf32> to vector<400x1xf32>
    %broadcast_in_dim3A_323 = vector.shape_cast %broadcast_in_dim3A_322 : vector<400x1xf32> to vector<400x1xf32>
    %broadcast_in_dim3A_324 = vector.broadcast %broadcast_in_dim3A_323 : vector<400x1xf32> to vector<400x128xf32>
    %slice3A_325 = vector.extract_strided_slice %get3A_4 {offsets = [0, 60], sizes = [400, 1], strides = [1, 1]} : vector<400x128xf32> to vector<400x1xf32>
    %squeeze3A_326 = vector.shape_cast %slice3A_325 : vector<400x1xf32> to vector<400xf32>
    %broadcast_in_dim3A_327 = vector.shape_cast %squeeze3A_326 : vector<400xf32> to vector<400x1xf32>
    %broadcast_in_dim3A_328 = vector.shape_cast %broadcast_in_dim3A_327 : vector<400x1xf32> to vector<400x1xf32>
    %broadcast_in_dim3A_329 = vector.broadcast %broadcast_in_dim3A_328 : vector<400x1xf32> to vector<400x128xf32>
    %slice3A_330 = vector.extract_strided_slice %get3A_4 {offsets = [0, 61], sizes = [400, 1], strides = [1, 1]} : vector<400x128xf32> to vector<400x1xf32>
    %squeeze3A_331 = vector.shape_cast %slice3A_330 : vector<400x1xf32> to vector<400xf32>
    %broadcast_in_dim3A_332 = vector.shape_cast %squeeze3A_331 : vector<400xf32> to vector<400x1xf32>
    %broadcast_in_dim3A_333 = vector.shape_cast %broadcast_in_dim3A_332 : vector<400x1xf32> to vector<400x1xf32>
    %broadcast_in_dim3A_334 = vector.broadcast %broadcast_in_dim3A_333 : vector<400x1xf32> to vector<400x128xf32>
    %slice3A_335 = vector.extract_strided_slice %get3A_4 {offsets = [0, 62], sizes = [400, 1], strides = [1, 1]} : vector<400x128xf32> to vector<400x1xf32>
    %squeeze3A_336 = vector.shape_cast %slice3A_335 : vector<400x1xf32> to vector<400xf32>
    %broadcast_in_dim3A_337 = vector.shape_cast %squeeze3A_336 : vector<400xf32> to vector<400x1xf32>
    %broadcast_in_dim3A_338 = vector.shape_cast %broadcast_in_dim3A_337 : vector<400x1xf32> to vector<400x1xf32>
    %broadcast_in_dim3A_339 = vector.broadcast %broadcast_in_dim3A_338 : vector<400x1xf32> to vector<400x128xf32>
    %slice3A_340 = vector.extract_strided_slice %get3A_4 {offsets = [0, 63], sizes = [400, 1], strides = [1, 1]} : vector<400x128xf32> to vector<400x1xf32>
    %squeeze3A_341 = vector.shape_cast %slice3A_340 : vector<400x1xf32> to vector<400xf32>
    %broadcast_in_dim3A_342 = vector.shape_cast %squeeze3A_341 : vector<400xf32> to vector<400x1xf32>
    %broadcast_in_dim3A_343 = vector.shape_cast %broadcast_in_dim3A_342 : vector<400x1xf32> to vector<400x1xf32>
    %broadcast_in_dim3A_344 = vector.broadcast %broadcast_in_dim3A_343 : vector<400x1xf32> to vector<400x128xf32>
    %concatenate3A_345 = tpu.concatenate %broadcast_in_dim3A_269, %broadcast_in_dim3A_274, %broadcast_in_dim3A_279, %broadcast_in_dim3A_284, %broadcast_in_dim3A_289, %broadcast_in_dim3A_294, %broadcast_in_dim3A_299, %broadcast_in_dim3A_304, %broadcast_in_dim3A_309, %broadcast_in_dim3A_314, %broadcast_in_dim3A_319, %broadcast_in_dim3A_324, %broadcast_in_dim3A_329, %broadcast_in_dim3A_334, %broadcast_in_dim3A_339, %broadcast_in_dim3A_344 in 1 : vector<400x128xf32>, vector<400x128xf32>, vector<400x128xf32>, vector<400x128xf32>, vector<400x128xf32>, vector<400x128xf32>, vector<400x128xf32>, vector<400x128xf32>, vector<400x128xf32>, vector<400x128xf32>, vector<400x128xf32>, vector<400x128xf32>, vector<400x128xf32>, vector<400x128xf32>, vector<400x128xf32>, vector<400x128xf32> -> vector<400x2048xf32>
    %mul3A_346 = arith.mulf %concatenate3A_345, %concatenate3A : vector<400x2048xf32>
    %get3A_347 = arith.constant 6144 : index
    %get3A_348 = arith.constant 0 : index
    %get3A_349 = vector.load %arg3[%get3A_347, %get3A_348] : memref<16384x128xf32, #tpu.memory_space<vmem>>, vector<2048x128xf32>
    %dot_general3A_350 = arith.constant dense<0.000000e+00> : vector<400x128xf32>
    %dot_general3A_351 = tpu.matmul %mul3A_346, %get3A_349, %dot_general3A_350 {dimension_numbers = #tpu.dot_dimension_numbers<[1], [0], [0], [1], [0, 0, 1, 1], [], []>, transpose_lhs_hint = false} : vector<400x2048xf32>, vector<2048x128xf32>, vector<400x128xf32> -> vector<400x128xf32>
    %add3A_352 = arith.addf %add3A_264, %dot_general3A_351 : vector<400x128xf32>
    %slice3A_353 = vector.extract_strided_slice %get3A_4 {offsets = [0, 64], sizes = [400, 1], strides = [1, 1]} : vector<400x128xf32> to vector<400x1xf32>
    %squeeze3A_354 = vector.shape_cast %slice3A_353 : vector<400x1xf32> to vector<400xf32>
    %broadcast_in_dim3A_355 = vector.shape_cast %squeeze3A_354 : vector<400xf32> to vector<400x1xf32>
    %broadcast_in_dim3A_356 = vector.shape_cast %broadcast_in_dim3A_355 : vector<400x1xf32> to vector<400x1xf32>
    %broadcast_in_dim3A_357 = vector.broadcast %broadcast_in_dim3A_356 : vector<400x1xf32> to vector<400x128xf32>
    %slice3A_358 = vector.extract_strided_slice %get3A_4 {offsets = [0, 65], sizes = [400, 1], strides = [1, 1]} : vector<400x128xf32> to vector<400x1xf32>
    %squeeze3A_359 = vector.shape_cast %slice3A_358 : vector<400x1xf32> to vector<400xf32>
    %broadcast_in_dim3A_360 = vector.shape_cast %squeeze3A_359 : vector<400xf32> to vector<400x1xf32>
    %broadcast_in_dim3A_361 = vector.shape_cast %broadcast_in_dim3A_360 : vector<400x1xf32> to vector<400x1xf32>
    %broadcast_in_dim3A_362 = vector.broadcast %broadcast_in_dim3A_361 : vector<400x1xf32> to vector<400x128xf32>
    %slice3A_363 = vector.extract_strided_slice %get3A_4 {offsets = [0, 66], sizes = [400, 1], strides = [1, 1]} : vector<400x128xf32> to vector<400x1xf32>
    %squeeze3A_364 = vector.shape_cast %slice3A_363 : vector<400x1xf32> to vector<400xf32>
    %broadcast_in_dim3A_365 = vector.shape_cast %squeeze3A_364 : vector<400xf32> to vector<400x1xf32>
    %broadcast_in_dim3A_366 = vector.shape_cast %broadcast_in_dim3A_365 : vector<400x1xf32> to vector<400x1xf32>
    %broadcast_in_dim3A_367 = vector.broadcast %broadcast_in_dim3A_366 : vector<400x1xf32> to vector<400x128xf32>
    %slice3A_368 = vector.extract_strided_slice %get3A_4 {offsets = [0, 67], sizes = [400, 1], strides = [1, 1]} : vector<400x128xf32> to vector<400x1xf32>
    %squeeze3A_369 = vector.shape_cast %slice3A_368 : vector<400x1xf32> to vector<400xf32>
    %broadcast_in_dim3A_370 = vector.shape_cast %squeeze3A_369 : vector<400xf32> to vector<400x1xf32>
    %broadcast_in_dim3A_371 = vector.shape_cast %broadcast_in_dim3A_370 : vector<400x1xf32> to vector<400x1xf32>
    %broadcast_in_dim3A_372 = vector.broadcast %broadcast_in_dim3A_371 : vector<400x1xf32> to vector<400x128xf32>
    %slice3A_373 = vector.extract_strided_slice %get3A_4 {offsets = [0, 68], sizes = [400, 1], strides = [1, 1]} : vector<400x128xf32> to vector<400x1xf32>
    %squeeze3A_374 = vector.shape_cast %slice3A_373 : vector<400x1xf32> to vector<400xf32>
    %broadcast_in_dim3A_375 = vector.shape_cast %squeeze3A_374 : vector<400xf32> to vector<400x1xf32>
    %broadcast_in_dim3A_376 = vector.shape_cast %broadcast_in_dim3A_375 : vector<400x1xf32> to vector<400x1xf32>
    %broadcast_in_dim3A_377 = vector.broadcast %broadcast_in_dim3A_376 : vector<400x1xf32> to vector<400x128xf32>
    %slice3A_378 = vector.extract_strided_slice %get3A_4 {offsets = [0, 69], sizes = [400, 1], strides = [1, 1]} : vector<400x128xf32> to vector<400x1xf32>
    %squeeze3A_379 = vector.shape_cast %slice3A_378 : vector<400x1xf32> to vector<400xf32>
    %broadcast_in_dim3A_380 = vector.shape_cast %squeeze3A_379 : vector<400xf32> to vector<400x1xf32>
    %broadcast_in_dim3A_381 = vector.shape_cast %broadcast_in_dim3A_380 : vector<400x1xf32> to vector<400x1xf32>
    %broadcast_in_dim3A_382 = vector.broadcast %broadcast_in_dim3A_381 : vector<400x1xf32> to vector<400x128xf32>
    %slice3A_383 = vector.extract_strided_slice %get3A_4 {offsets = [0, 70], sizes = [400, 1], strides = [1, 1]} : vector<400x128xf32> to vector<400x1xf32>
    %squeeze3A_384 = vector.shape_cast %slice3A_383 : vector<400x1xf32> to vector<400xf32>
    %broadcast_in_dim3A_385 = vector.shape_cast %squeeze3A_384 : vector<400xf32> to vector<400x1xf32>
    %broadcast_in_dim3A_386 = vector.shape_cast %broadcast_in_dim3A_385 : vector<400x1xf32> to vector<400x1xf32>
    %broadcast_in_dim3A_387 = vector.broadcast %broadcast_in_dim3A_386 : vector<400x1xf32> to vector<400x128xf32>
    %slice3A_388 = vector.extract_strided_slice %get3A_4 {offsets = [0, 71], sizes = [400, 1], strides = [1, 1]} : vector<400x128xf32> to vector<400x1xf32>
    %squeeze3A_389 = vector.shape_cast %slice3A_388 : vector<400x1xf32> to vector<400xf32>
    %broadcast_in_dim3A_390 = vector.shape_cast %squeeze3A_389 : vector<400xf32> to vector<400x1xf32>
    %broadcast_in_dim3A_391 = vector.shape_cast %broadcast_in_dim3A_390 : vector<400x1xf32> to vector<400x1xf32>
    %broadcast_in_dim3A_392 = vector.broadcast %broadcast_in_dim3A_391 : vector<400x1xf32> to vector<400x128xf32>
    %slice3A_393 = vector.extract_strided_slice %get3A_4 {offsets = [0, 72], sizes = [400, 1], strides = [1, 1]} : vector<400x128xf32> to vector<400x1xf32>
    %squeeze3A_394 = vector.shape_cast %slice3A_393 : vector<400x1xf32> to vector<400xf32>
    %broadcast_in_dim3A_395 = vector.shape_cast %squeeze3A_394 : vector<400xf32> to vector<400x1xf32>
    %broadcast_in_dim3A_396 = vector.shape_cast %broadcast_in_dim3A_395 : vector<400x1xf32> to vector<400x1xf32>
    %broadcast_in_dim3A_397 = vector.broadcast %broadcast_in_dim3A_396 : vector<400x1xf32> to vector<400x128xf32>
    %slice3A_398 = vector.extract_strided_slice %get3A_4 {offsets = [0, 73], sizes = [400, 1], strides = [1, 1]} : vector<400x128xf32> to vector<400x1xf32>
    %squeeze3A_399 = vector.shape_cast %slice3A_398 : vector<400x1xf32> to vector<400xf32>
    %broadcast_in_dim3A_400 = vector.shape_cast %squeeze3A_399 : vector<400xf32> to vector<400x1xf32>
    %broadcast_in_dim3A_401 = vector.shape_cast %broadcast_in_dim3A_400 : vector<400x1xf32> to vector<400x1xf32>
    %broadcast_in_dim3A_402 = vector.broadcast %broadcast_in_dim3A_401 : vector<400x1xf32> to vector<400x128xf32>
    %slice3A_403 = vector.extract_strided_slice %get3A_4 {offsets = [0, 74], sizes = [400, 1], strides = [1, 1]} : vector<400x128xf32> to vector<400x1xf32>
    %squeeze3A_404 = vector.shape_cast %slice3A_403 : vector<400x1xf32> to vector<400xf32>
    %broadcast_in_dim3A_405 = vector.shape_cast %squeeze3A_404 : vector<400xf32> to vector<400x1xf32>
    %broadcast_in_dim3A_406 = vector.shape_cast %broadcast_in_dim3A_405 : vector<400x1xf32> to vector<400x1xf32>
    %broadcast_in_dim3A_407 = vector.broadcast %broadcast_in_dim3A_406 : vector<400x1xf32> to vector<400x128xf32>
    %slice3A_408 = vector.extract_strided_slice %get3A_4 {offsets = [0, 75], sizes = [400, 1], strides = [1, 1]} : vector<400x128xf32> to vector<400x1xf32>
    %squeeze3A_409 = vector.shape_cast %slice3A_408 : vector<400x1xf32> to vector<400xf32>
    %broadcast_in_dim3A_410 = vector.shape_cast %squeeze3A_409 : vector<400xf32> to vector<400x1xf32>
    %broadcast_in_dim3A_411 = vector.shape_cast %broadcast_in_dim3A_410 : vector<400x1xf32> to vector<400x1xf32>
    %broadcast_in_dim3A_412 = vector.broadcast %broadcast_in_dim3A_411 : vector<400x1xf32> to vector<400x128xf32>
    %slice3A_413 = vector.extract_strided_slice %get3A_4 {offsets = [0, 76], sizes = [400, 1], strides = [1, 1]} : vector<400x128xf32> to vector<400x1xf32>
    %squeeze3A_414 = vector.shape_cast %slice3A_413 : vector<400x1xf32> to vector<400xf32>
    %broadcast_in_dim3A_415 = vector.shape_cast %squeeze3A_414 : vector<400xf32> to vector<400x1xf32>
    %broadcast_in_dim3A_416 = vector.shape_cast %broadcast_in_dim3A_415 : vector<400x1xf32> to vector<400x1xf32>
    %broadcast_in_dim3A_417 = vector.broadcast %broadcast_in_dim3A_416 : vector<400x1xf32> to vector<400x128xf32>
    %slice3A_418 = vector.extract_strided_slice %get3A_4 {offsets = [0, 77], sizes = [400, 1], strides = [1, 1]} : vector<400x128xf32> to vector<400x1xf32>
    %squeeze3A_419 = vector.shape_cast %slice3A_418 : vector<400x1xf32> to vector<400xf32>
    %broadcast_in_dim3A_420 = vector.shape_cast %squeeze3A_419 : vector<400xf32> to vector<400x1xf32>
    %broadcast_in_dim3A_421 = vector.shape_cast %broadcast_in_dim3A_420 : vector<400x1xf32> to vector<400x1xf32>
    %broadcast_in_dim3A_422 = vector.broadcast %broadcast_in_dim3A_421 : vector<400x1xf32> to vector<400x128xf32>
    %slice3A_423 = vector.extract_strided_slice %get3A_4 {offsets = [0, 78], sizes = [400, 1], strides = [1, 1]} : vector<400x128xf32> to vector<400x1xf32>
    %squeeze3A_424 = vector.shape_cast %slice3A_423 : vector<400x1xf32> to vector<400xf32>
    %broadcast_in_dim3A_425 = vector.shape_cast %squeeze3A_424 : vector<400xf32> to vector<400x1xf32>
    %broadcast_in_dim3A_426 = vector.shape_cast %broadcast_in_dim3A_425 : vector<400x1xf32> to vector<400x1xf32>
    %broadcast_in_dim3A_427 = vector.broadcast %broadcast_in_dim3A_426 : vector<400x1xf32> to vector<400x128xf32>
    %slice3A_428 = vector.extract_strided_slice %get3A_4 {offsets = [0, 79], sizes = [400, 1], strides = [1, 1]} : vector<400x128xf32> to vector<400x1xf32>
    %squeeze3A_429 = vector.shape_cast %slice3A_428 : vector<400x1xf32> to vector<400xf32>
    %broadcast_in_dim3A_430 = vector.shape_cast %squeeze3A_429 : vector<400xf32> to vector<400x1xf32>
    %broadcast_in_dim3A_431 = vector.shape_cast %broadcast_in_dim3A_430 : vector<400x1xf32> to vector<400x1xf32>
    %broadcast_in_dim3A_432 = vector.broadcast %broadcast_in_dim3A_431 : vector<400x1xf32> to vector<400x128xf32>
    %concatenate3A_433 = tpu.concatenate %broadcast_in_dim3A_357, %broadcast_in_dim3A_362, %broadcast_in_dim3A_367, %broadcast_in_dim3A_372, %broadcast_in_dim3A_377, %broadcast_in_dim3A_382, %broadcast_in_dim3A_387, %broadcast_in_dim3A_392, %broadcast_in_dim3A_397, %broadcast_in_dim3A_402, %broadcast_in_dim3A_407, %broadcast_in_dim3A_412, %broadcast_in_dim3A_417, %broadcast_in_dim3A_422, %broadcast_in_dim3A_427, %broadcast_in_dim3A_432 in 1 : vector<400x128xf32>, vector<400x128xf32>, vector<400x128xf32>, vector<400x128xf32>, vector<400x128xf32>, vector<400x128xf32>, vector<400x128xf32>, vector<400x128xf32>, vector<400x128xf32>, vector<400x128xf32>, vector<400x128xf32>, vector<400x128xf32>, vector<400x128xf32>, vector<400x128xf32>, vector<400x128xf32>, vector<400x128xf32> -> vector<400x2048xf32>
    %mul3A_434 = arith.mulf %concatenate3A_433, %concatenate3A : vector<400x2048xf32>
    %get3A_435 = arith.constant 8192 : index
    %get3A_436 = arith.constant 0 : index
    %get3A_437 = vector.load %arg3[%get3A_435, %get3A_436] : memref<16384x128xf32, #tpu.memory_space<vmem>>, vector<2048x128xf32>
    %dot_general3A_438 = arith.constant dense<0.000000e+00> : vector<400x128xf32>
    %dot_general3A_439 = tpu.matmul %mul3A_434, %get3A_437, %dot_general3A_438 {dimension_numbers = #tpu.dot_dimension_numbers<[1], [0], [0], [1], [0, 0, 1, 1], [], []>, transpose_lhs_hint = false} : vector<400x2048xf32>, vector<2048x128xf32>, vector<400x128xf32> -> vector<400x128xf32>
    %add3A_440 = arith.addf %add3A_352, %dot_general3A_439 : vector<400x128xf32>
    %slice3A_441 = vector.extract_strided_slice %get3A_4 {offsets = [0, 80], sizes = [400, 1], strides = [1, 1]} : vector<400x128xf32> to vector<400x1xf32>
    %squeeze3A_442 = vector.shape_cast %slice3A_441 : vector<400x1xf32> to vector<400xf32>
    %broadcast_in_dim3A_443 = vector.shape_cast %squeeze3A_442 : vector<400xf32> to vector<400x1xf32>
    %broadcast_in_dim3A_444 = vector.shape_cast %broadcast_in_dim3A_443 : vector<400x1xf32> to vector<400x1xf32>
    %broadcast_in_dim3A_445 = vector.broadcast %broadcast_in_dim3A_444 : vector<400x1xf32> to vector<400x128xf32>
    %slice3A_446 = vector.extract_strided_slice %get3A_4 {offsets = [0, 81], sizes = [400, 1], strides = [1, 1]} : vector<400x128xf32> to vector<400x1xf32>
    %squeeze3A_447 = vector.shape_cast %slice3A_446 : vector<400x1xf32> to vector<400xf32>
    %broadcast_in_dim3A_448 = vector.shape_cast %squeeze3A_447 : vector<400xf32> to vector<400x1xf32>
    %broadcast_in_dim3A_449 = vector.shape_cast %broadcast_in_dim3A_448 : vector<400x1xf32> to vector<400x1xf32>
    %broadcast_in_dim3A_450 = vector.broadcast %broadcast_in_dim3A_449 : vector<400x1xf32> to vector<400x128xf32>
    %slice3A_451 = vector.extract_strided_slice %get3A_4 {offsets = [0, 82], sizes = [400, 1], strides = [1, 1]} : vector<400x128xf32> to vector<400x1xf32>
    %squeeze3A_452 = vector.shape_cast %slice3A_451 : vector<400x1xf32> to vector<400xf32>
    %broadcast_in_dim3A_453 = vector.shape_cast %squeeze3A_452 : vector<400xf32> to vector<400x1xf32>
    %broadcast_in_dim3A_454 = vector.shape_cast %broadcast_in_dim3A_453 : vector<400x1xf32> to vector<400x1xf32>
    %broadcast_in_dim3A_455 = vector.broadcast %broadcast_in_dim3A_454 : vector<400x1xf32> to vector<400x128xf32>
    %slice3A_456 = vector.extract_strided_slice %get3A_4 {offsets = [0, 83], sizes = [400, 1], strides = [1, 1]} : vector<400x128xf32> to vector<400x1xf32>
    %squeeze3A_457 = vector.shape_cast %slice3A_456 : vector<400x1xf32> to vector<400xf32>
    %broadcast_in_dim3A_458 = vector.shape_cast %squeeze3A_457 : vector<400xf32> to vector<400x1xf32>
    %broadcast_in_dim3A_459 = vector.shape_cast %broadcast_in_dim3A_458 : vector<400x1xf32> to vector<400x1xf32>
    %broadcast_in_dim3A_460 = vector.broadcast %broadcast_in_dim3A_459 : vector<400x1xf32> to vector<400x128xf32>
    %slice3A_461 = vector.extract_strided_slice %get3A_4 {offsets = [0, 84], sizes = [400, 1], strides = [1, 1]} : vector<400x128xf32> to vector<400x1xf32>
    %squeeze3A_462 = vector.shape_cast %slice3A_461 : vector<400x1xf32> to vector<400xf32>
    %broadcast_in_dim3A_463 = vector.shape_cast %squeeze3A_462 : vector<400xf32> to vector<400x1xf32>
    %broadcast_in_dim3A_464 = vector.shape_cast %broadcast_in_dim3A_463 : vector<400x1xf32> to vector<400x1xf32>
    %broadcast_in_dim3A_465 = vector.broadcast %broadcast_in_dim3A_464 : vector<400x1xf32> to vector<400x128xf32>
    %slice3A_466 = vector.extract_strided_slice %get3A_4 {offsets = [0, 85], sizes = [400, 1], strides = [1, 1]} : vector<400x128xf32> to vector<400x1xf32>
    %squeeze3A_467 = vector.shape_cast %slice3A_466 : vector<400x1xf32> to vector<400xf32>
    %broadcast_in_dim3A_468 = vector.shape_cast %squeeze3A_467 : vector<400xf32> to vector<400x1xf32>
    %broadcast_in_dim3A_469 = vector.shape_cast %broadcast_in_dim3A_468 : vector<400x1xf32> to vector<400x1xf32>
    %broadcast_in_dim3A_470 = vector.broadcast %broadcast_in_dim3A_469 : vector<400x1xf32> to vector<400x128xf32>
    %slice3A_471 = vector.extract_strided_slice %get3A_4 {offsets = [0, 86], sizes = [400, 1], strides = [1, 1]} : vector<400x128xf32> to vector<400x1xf32>
    %squeeze3A_472 = vector.shape_cast %slice3A_471 : vector<400x1xf32> to vector<400xf32>
    %broadcast_in_dim3A_473 = vector.shape_cast %squeeze3A_472 : vector<400xf32> to vector<400x1xf32>
    %broadcast_in_dim3A_474 = vector.shape_cast %broadcast_in_dim3A_473 : vector<400x1xf32> to vector<400x1xf32>
    %broadcast_in_dim3A_475 = vector.broadcast %broadcast_in_dim3A_474 : vector<400x1xf32> to vector<400x128xf32>
    %slice3A_476 = vector.extract_strided_slice %get3A_4 {offsets = [0, 87], sizes = [400, 1], strides = [1, 1]} : vector<400x128xf32> to vector<400x1xf32>
    %squeeze3A_477 = vector.shape_cast %slice3A_476 : vector<400x1xf32> to vector<400xf32>
    %broadcast_in_dim3A_478 = vector.shape_cast %squeeze3A_477 : vector<400xf32> to vector<400x1xf32>
    %broadcast_in_dim3A_479 = vector.shape_cast %broadcast_in_dim3A_478 : vector<400x1xf32> to vector<400x1xf32>
    %broadcast_in_dim3A_480 = vector.broadcast %broadcast_in_dim3A_479 : vector<400x1xf32> to vector<400x128xf32>
    %slice3A_481 = vector.extract_strided_slice %get3A_4 {offsets = [0, 88], sizes = [400, 1], strides = [1, 1]} : vector<400x128xf32> to vector<400x1xf32>
    %squeeze3A_482 = vector.shape_cast %slice3A_481 : vector<400x1xf32> to vector<400xf32>
    %broadcast_in_dim3A_483 = vector.shape_cast %squeeze3A_482 : vector<400xf32> to vector<400x1xf32>
    %broadcast_in_dim3A_484 = vector.shape_cast %broadcast_in_dim3A_483 : vector<400x1xf32> to vector<400x1xf32>
    %broadcast_in_dim3A_485 = vector.broadcast %broadcast_in_dim3A_484 : vector<400x1xf32> to vector<400x128xf32>
    %slice3A_486 = vector.extract_strided_slice %get3A_4 {offsets = [0, 89], sizes = [400, 1], strides = [1, 1]} : vector<400x128xf32> to vector<400x1xf32>
    %squeeze3A_487 = vector.shape_cast %slice3A_486 : vector<400x1xf32> to vector<400xf32>
    %broadcast_in_dim3A_488 = vector.shape_cast %squeeze3A_487 : vector<400xf32> to vector<400x1xf32>
    %broadcast_in_dim3A_489 = vector.shape_cast %broadcast_in_dim3A_488 : vector<400x1xf32> to vector<400x1xf32>
    %broadcast_in_dim3A_490 = vector.broadcast %broadcast_in_dim3A_489 : vector<400x1xf32> to vector<400x128xf32>
    %slice3A_491 = vector.extract_strided_slice %get3A_4 {offsets = [0, 90], sizes = [400, 1], strides = [1, 1]} : vector<400x128xf32> to vector<400x1xf32>
    %squeeze3A_492 = vector.shape_cast %slice3A_491 : vector<400x1xf32> to vector<400xf32>
    %broadcast_in_dim3A_493 = vector.shape_cast %squeeze3A_492 : vector<400xf32> to vector<400x1xf32>
    %broadcast_in_dim3A_494 = vector.shape_cast %broadcast_in_dim3A_493 : vector<400x1xf32> to vector<400x1xf32>
    %broadcast_in_dim3A_495 = vector.broadcast %broadcast_in_dim3A_494 : vector<400x1xf32> to vector<400x128xf32>
    %slice3A_496 = vector.extract_strided_slice %get3A_4 {offsets = [0, 91], sizes = [400, 1], strides = [1, 1]} : vector<400x128xf32> to vector<400x1xf32>
    %squeeze3A_497 = vector.shape_cast %slice3A_496 : vector<400x1xf32> to vector<400xf32>
    %broadcast_in_dim3A_498 = vector.shape_cast %squeeze3A_497 : vector<400xf32> to vector<400x1xf32>
    %broadcast_in_dim3A_499 = vector.shape_cast %broadcast_in_dim3A_498 : vector<400x1xf32> to vector<400x1xf32>
    %broadcast_in_dim3A_500 = vector.broadcast %broadcast_in_dim3A_499 : vector<400x1xf32> to vector<400x128xf32>
    %slice3A_501 = vector.extract_strided_slice %get3A_4 {offsets = [0, 92], sizes = [400, 1], strides = [1, 1]} : vector<400x128xf32> to vector<400x1xf32>
    %squeeze3A_502 = vector.shape_cast %slice3A_501 : vector<400x1xf32> to vector<400xf32>
    %broadcast_in_dim3A_503 = vector.shape_cast %squeeze3A_502 : vector<400xf32> to vector<400x1xf32>
    %broadcast_in_dim3A_504 = vector.shape_cast %broadcast_in_dim3A_503 : vector<400x1xf32> to vector<400x1xf32>
    %broadcast_in_dim3A_505 = vector.broadcast %broadcast_in_dim3A_504 : vector<400x1xf32> to vector<400x128xf32>
    %slice3A_506 = vector.extract_strided_slice %get3A_4 {offsets = [0, 93], sizes = [400, 1], strides = [1, 1]} : vector<400x128xf32> to vector<400x1xf32>
    %squeeze3A_507 = vector.shape_cast %slice3A_506 : vector<400x1xf32> to vector<400xf32>
    %broadcast_in_dim3A_508 = vector.shape_cast %squeeze3A_507 : vector<400xf32> to vector<400x1xf32>
    %broadcast_in_dim3A_509 = vector.shape_cast %broadcast_in_dim3A_508 : vector<400x1xf32> to vector<400x1xf32>
    %broadcast_in_dim3A_510 = vector.broadcast %broadcast_in_dim3A_509 : vector<400x1xf32> to vector<400x128xf32>
    %slice3A_511 = vector.extract_strided_slice %get3A_4 {offsets = [0, 94], sizes = [400, 1], strides = [1, 1]} : vector<400x128xf32> to vector<400x1xf32>
    %squeeze3A_512 = vector.shape_cast %slice3A_511 : vector<400x1xf32> to vector<400xf32>
    %broadcast_in_dim3A_513 = vector.shape_cast %squeeze3A_512 : vector<400xf32> to vector<400x1xf32>
    %broadcast_in_dim3A_514 = vector.shape_cast %broadcast_in_dim3A_513 : vector<400x1xf32> to vector<400x1xf32>
    %broadcast_in_dim3A_515 = vector.broadcast %broadcast_in_dim3A_514 : vector<400x1xf32> to vector<400x128xf32>
    %slice3A_516 = vector.extract_strided_slice %get3A_4 {offsets = [0, 95], sizes = [400, 1], strides = [1, 1]} : vector<400x128xf32> to vector<400x1xf32>
    %squeeze3A_517 = vector.shape_cast %slice3A_516 : vector<400x1xf32> to vector<400xf32>
    %broadcast_in_dim3A_518 = vector.shape_cast %squeeze3A_517 : vector<400xf32> to vector<400x1xf32>
    %broadcast_in_dim3A_519 = vector.shape_cast %broadcast_in_dim3A_518 : vector<400x1xf32> to vector<400x1xf32>
    %broadcast_in_dim3A_520 = vector.broadcast %broadcast_in_dim3A_519 : vector<400x1xf32> to vector<400x128xf32>
    %concatenate3A_521 = tpu.concatenate %broadcast_in_dim3A_445, %broadcast_in_dim3A_450, %broadcast_in_dim3A_455, %broadcast_in_dim3A_460, %broadcast_in_dim3A_465, %broadcast_in_dim3A_470, %broadcast_in_dim3A_475, %broadcast_in_dim3A_480, %broadcast_in_dim3A_485, %broadcast_in_dim3A_490, %broadcast_in_dim3A_495, %broadcast_in_dim3A_500, %broadcast_in_dim3A_505, %broadcast_in_dim3A_510, %broadcast_in_dim3A_515, %broadcast_in_dim3A_520 in 1 : vector<400x128xf32>, vector<400x128xf32>, vector<400x128xf32>, vector<400x128xf32>, vector<400x128xf32>, vector<400x128xf32>, vector<400x128xf32>, vector<400x128xf32>, vector<400x128xf32>, vector<400x128xf32>, vector<400x128xf32>, vector<400x128xf32>, vector<400x128xf32>, vector<400x128xf32>, vector<400x128xf32>, vector<400x128xf32> -> vector<400x2048xf32>
    %mul3A_522 = arith.mulf %concatenate3A_521, %concatenate3A : vector<400x2048xf32>
    %get3A_523 = arith.constant 10240 : index
    %get3A_524 = arith.constant 0 : index
    %get3A_525 = vector.load %arg3[%get3A_523, %get3A_524] : memref<16384x128xf32, #tpu.memory_space<vmem>>, vector<2048x128xf32>
    %dot_general3A_526 = arith.constant dense<0.000000e+00> : vector<400x128xf32>
    %dot_general3A_527 = tpu.matmul %mul3A_522, %get3A_525, %dot_general3A_526 {dimension_numbers = #tpu.dot_dimension_numbers<[1], [0], [0], [1], [0, 0, 1, 1], [], []>, transpose_lhs_hint = false} : vector<400x2048xf32>, vector<2048x128xf32>, vector<400x128xf32> -> vector<400x128xf32>
    %add3A_528 = arith.addf %add3A_440, %dot_general3A_527 : vector<400x128xf32>
    %slice3A_529 = vector.extract_strided_slice %get3A_4 {offsets = [0, 96], sizes = [400, 1], strides = [1, 1]} : vector<400x128xf32> to vector<400x1xf32>
    %squeeze3A_530 = vector.shape_cast %slice3A_529 : vector<400x1xf32> to vector<400xf32>
    %broadcast_in_dim3A_531 = vector.shape_cast %squeeze3A_530 : vector<400xf32> to vector<400x1xf32>
    %broadcast_in_dim3A_532 = vector.shape_cast %broadcast_in_dim3A_531 : vector<400x1xf32> to vector<400x1xf32>
    %broadcast_in_dim3A_533 = vector.broadcast %broadcast_in_dim3A_532 : vector<400x1xf32> to vector<400x128xf32>
    %slice3A_534 = vector.extract_strided_slice %get3A_4 {offsets = [0, 97], sizes = [400, 1], strides = [1, 1]} : vector<400x128xf32> to vector<400x1xf32>
    %squeeze3A_535 = vector.shape_cast %slice3A_534 : vector<400x1xf32> to vector<400xf32>
    %broadcast_in_dim3A_536 = vector.shape_cast %squeeze3A_535 : vector<400xf32> to vector<400x1xf32>
    %broadcast_in_dim3A_537 = vector.shape_cast %broadcast_in_dim3A_536 : vector<400x1xf32> to vector<400x1xf32>
    %broadcast_in_dim3A_538 = vector.broadcast %broadcast_in_dim3A_537 : vector<400x1xf32> to vector<400x128xf32>
    %slice3A_539 = vector.extract_strided_slice %get3A_4 {offsets = [0, 98], sizes = [400, 1], strides = [1, 1]} : vector<400x128xf32> to vector<400x1xf32>
    %squeeze3A_540 = vector.shape_cast %slice3A_539 : vector<400x1xf32> to vector<400xf32>
    %broadcast_in_dim3A_541 = vector.shape_cast %squeeze3A_540 : vector<400xf32> to vector<400x1xf32>
    %broadcast_in_dim3A_542 = vector.shape_cast %broadcast_in_dim3A_541 : vector<400x1xf32> to vector<400x1xf32>
    %broadcast_in_dim3A_543 = vector.broadcast %broadcast_in_dim3A_542 : vector<400x1xf32> to vector<400x128xf32>
    %slice3A_544 = vector.extract_strided_slice %get3A_4 {offsets = [0, 99], sizes = [400, 1], strides = [1, 1]} : vector<400x128xf32> to vector<400x1xf32>
    %squeeze3A_545 = vector.shape_cast %slice3A_544 : vector<400x1xf32> to vector<400xf32>
    %broadcast_in_dim3A_546 = vector.shape_cast %squeeze3A_545 : vector<400xf32> to vector<400x1xf32>
    %broadcast_in_dim3A_547 = vector.shape_cast %broadcast_in_dim3A_546 : vector<400x1xf32> to vector<400x1xf32>
    %broadcast_in_dim3A_548 = vector.broadcast %broadcast_in_dim3A_547 : vector<400x1xf32> to vector<400x128xf32>
    %slice3A_549 = vector.extract_strided_slice %get3A_4 {offsets = [0, 100], sizes = [400, 1], strides = [1, 1]} : vector<400x128xf32> to vector<400x1xf32>
    %squeeze3A_550 = vector.shape_cast %slice3A_549 : vector<400x1xf32> to vector<400xf32>
    %broadcast_in_dim3A_551 = vector.shape_cast %squeeze3A_550 : vector<400xf32> to vector<400x1xf32>
    %broadcast_in_dim3A_552 = vector.shape_cast %broadcast_in_dim3A_551 : vector<400x1xf32> to vector<400x1xf32>
    %broadcast_in_dim3A_553 = vector.broadcast %broadcast_in_dim3A_552 : vector<400x1xf32> to vector<400x128xf32>
    %slice3A_554 = vector.extract_strided_slice %get3A_4 {offsets = [0, 101], sizes = [400, 1], strides = [1, 1]} : vector<400x128xf32> to vector<400x1xf32>
    %squeeze3A_555 = vector.shape_cast %slice3A_554 : vector<400x1xf32> to vector<400xf32>
    %broadcast_in_dim3A_556 = vector.shape_cast %squeeze3A_555 : vector<400xf32> to vector<400x1xf32>
    %broadcast_in_dim3A_557 = vector.shape_cast %broadcast_in_dim3A_556 : vector<400x1xf32> to vector<400x1xf32>
    %broadcast_in_dim3A_558 = vector.broadcast %broadcast_in_dim3A_557 : vector<400x1xf32> to vector<400x128xf32>
    %slice3A_559 = vector.extract_strided_slice %get3A_4 {offsets = [0, 102], sizes = [400, 1], strides = [1, 1]} : vector<400x128xf32> to vector<400x1xf32>
    %squeeze3A_560 = vector.shape_cast %slice3A_559 : vector<400x1xf32> to vector<400xf32>
    %broadcast_in_dim3A_561 = vector.shape_cast %squeeze3A_560 : vector<400xf32> to vector<400x1xf32>
    %broadcast_in_dim3A_562 = vector.shape_cast %broadcast_in_dim3A_561 : vector<400x1xf32> to vector<400x1xf32>
    %broadcast_in_dim3A_563 = vector.broadcast %broadcast_in_dim3A_562 : vector<400x1xf32> to vector<400x128xf32>
    %slice3A_564 = vector.extract_strided_slice %get3A_4 {offsets = [0, 103], sizes = [400, 1], strides = [1, 1]} : vector<400x128xf32> to vector<400x1xf32>
    %squeeze3A_565 = vector.shape_cast %slice3A_564 : vector<400x1xf32> to vector<400xf32>
    %broadcast_in_dim3A_566 = vector.shape_cast %squeeze3A_565 : vector<400xf32> to vector<400x1xf32>
    %broadcast_in_dim3A_567 = vector.shape_cast %broadcast_in_dim3A_566 : vector<400x1xf32> to vector<400x1xf32>
    %broadcast_in_dim3A_568 = vector.broadcast %broadcast_in_dim3A_567 : vector<400x1xf32> to vector<400x128xf32>
    %slice3A_569 = vector.extract_strided_slice %get3A_4 {offsets = [0, 104], sizes = [400, 1], strides = [1, 1]} : vector<400x128xf32> to vector<400x1xf32>
    %squeeze3A_570 = vector.shape_cast %slice3A_569 : vector<400x1xf32> to vector<400xf32>
    %broadcast_in_dim3A_571 = vector.shape_cast %squeeze3A_570 : vector<400xf32> to vector<400x1xf32>
    %broadcast_in_dim3A_572 = vector.shape_cast %broadcast_in_dim3A_571 : vector<400x1xf32> to vector<400x1xf32>
    %broadcast_in_dim3A_573 = vector.broadcast %broadcast_in_dim3A_572 : vector<400x1xf32> to vector<400x128xf32>
    %slice3A_574 = vector.extract_strided_slice %get3A_4 {offsets = [0, 105], sizes = [400, 1], strides = [1, 1]} : vector<400x128xf32> to vector<400x1xf32>
    %squeeze3A_575 = vector.shape_cast %slice3A_574 : vector<400x1xf32> to vector<400xf32>
    %broadcast_in_dim3A_576 = vector.shape_cast %squeeze3A_575 : vector<400xf32> to vector<400x1xf32>
    %broadcast_in_dim3A_577 = vector.shape_cast %broadcast_in_dim3A_576 : vector<400x1xf32> to vector<400x1xf32>
    %broadcast_in_dim3A_578 = vector.broadcast %broadcast_in_dim3A_577 : vector<400x1xf32> to vector<400x128xf32>
    %slice3A_579 = vector.extract_strided_slice %get3A_4 {offsets = [0, 106], sizes = [400, 1], strides = [1, 1]} : vector<400x128xf32> to vector<400x1xf32>
    %squeeze3A_580 = vector.shape_cast %slice3A_579 : vector<400x1xf32> to vector<400xf32>
    %broadcast_in_dim3A_581 = vector.shape_cast %squeeze3A_580 : vector<400xf32> to vector<400x1xf32>
    %broadcast_in_dim3A_582 = vector.shape_cast %broadcast_in_dim3A_581 : vector<400x1xf32> to vector<400x1xf32>
    %broadcast_in_dim3A_583 = vector.broadcast %broadcast_in_dim3A_582 : vector<400x1xf32> to vector<400x128xf32>
    %slice3A_584 = vector.extract_strided_slice %get3A_4 {offsets = [0, 107], sizes = [400, 1], strides = [1, 1]} : vector<400x128xf32> to vector<400x1xf32>
    %squeeze3A_585 = vector.shape_cast %slice3A_584 : vector<400x1xf32> to vector<400xf32>
    %broadcast_in_dim3A_586 = vector.shape_cast %squeeze3A_585 : vector<400xf32> to vector<400x1xf32>
    %broadcast_in_dim3A_587 = vector.shape_cast %broadcast_in_dim3A_586 : vector<400x1xf32> to vector<400x1xf32>
    %broadcast_in_dim3A_588 = vector.broadcast %broadcast_in_dim3A_587 : vector<400x1xf32> to vector<400x128xf32>
    %slice3A_589 = vector.extract_strided_slice %get3A_4 {offsets = [0, 108], sizes = [400, 1], strides = [1, 1]} : vector<400x128xf32> to vector<400x1xf32>
    %squeeze3A_590 = vector.shape_cast %slice3A_589 : vector<400x1xf32> to vector<400xf32>
    %broadcast_in_dim3A_591 = vector.shape_cast %squeeze3A_590 : vector<400xf32> to vector<400x1xf32>
    %broadcast_in_dim3A_592 = vector.shape_cast %broadcast_in_dim3A_591 : vector<400x1xf32> to vector<400x1xf32>
    %broadcast_in_dim3A_593 = vector.broadcast %broadcast_in_dim3A_592 : vector<400x1xf32> to vector<400x128xf32>
    %slice3A_594 = vector.extract_strided_slice %get3A_4 {offsets = [0, 109], sizes = [400, 1], strides = [1, 1]} : vector<400x128xf32> to vector<400x1xf32>
    %squeeze3A_595 = vector.shape_cast %slice3A_594 : vector<400x1xf32> to vector<400xf32>
    %broadcast_in_dim3A_596 = vector.shape_cast %squeeze3A_595 : vector<400xf32> to vector<400x1xf32>
    %broadcast_in_dim3A_597 = vector.shape_cast %broadcast_in_dim3A_596 : vector<400x1xf32> to vector<400x1xf32>
    %broadcast_in_dim3A_598 = vector.broadcast %broadcast_in_dim3A_597 : vector<400x1xf32> to vector<400x128xf32>
    %slice3A_599 = vector.extract_strided_slice %get3A_4 {offsets = [0, 110], sizes = [400, 1], strides = [1, 1]} : vector<400x128xf32> to vector<400x1xf32>
    %squeeze3A_600 = vector.shape_cast %slice3A_599 : vector<400x1xf32> to vector<400xf32>
    %broadcast_in_dim3A_601 = vector.shape_cast %squeeze3A_600 : vector<400xf32> to vector<400x1xf32>
    %broadcast_in_dim3A_602 = vector.shape_cast %broadcast_in_dim3A_601 : vector<400x1xf32> to vector<400x1xf32>
    %broadcast_in_dim3A_603 = vector.broadcast %broadcast_in_dim3A_602 : vector<400x1xf32> to vector<400x128xf32>
    %slice3A_604 = vector.extract_strided_slice %get3A_4 {offsets = [0, 111], sizes = [400, 1], strides = [1, 1]} : vector<400x128xf32> to vector<400x1xf32>
    %squeeze3A_605 = vector.shape_cast %slice3A_604 : vector<400x1xf32> to vector<400xf32>
    %broadcast_in_dim3A_606 = vector.shape_cast %squeeze3A_605 : vector<400xf32> to vector<400x1xf32>
    %broadcast_in_dim3A_607 = vector.shape_cast %broadcast_in_dim3A_606 : vector<400x1xf32> to vector<400x1xf32>
    %broadcast_in_dim3A_608 = vector.broadcast %broadcast_in_dim3A_607 : vector<400x1xf32> to vector<400x128xf32>
    %concatenate3A_609 = tpu.concatenate %broadcast_in_dim3A_533, %broadcast_in_dim3A_538, %broadcast_in_dim3A_543, %broadcast_in_dim3A_548, %broadcast_in_dim3A_553, %broadcast_in_dim3A_558, %broadcast_in_dim3A_563, %broadcast_in_dim3A_568, %broadcast_in_dim3A_573, %broadcast_in_dim3A_578, %broadcast_in_dim3A_583, %broadcast_in_dim3A_588, %broadcast_in_dim3A_593, %broadcast_in_dim3A_598, %broadcast_in_dim3A_603, %broadcast_in_dim3A_608 in 1 : vector<400x128xf32>, vector<400x128xf32>, vector<400x128xf32>, vector<400x128xf32>, vector<400x128xf32>, vector<400x128xf32>, vector<400x128xf32>, vector<400x128xf32>, vector<400x128xf32>, vector<400x128xf32>, vector<400x128xf32>, vector<400x128xf32>, vector<400x128xf32>, vector<400x128xf32>, vector<400x128xf32>, vector<400x128xf32> -> vector<400x2048xf32>
    %mul3A_610 = arith.mulf %concatenate3A_609, %concatenate3A : vector<400x2048xf32>
    %get3A_611 = arith.constant 12288 : index
    %get3A_612 = arith.constant 0 : index
    %get3A_613 = vector.load %arg3[%get3A_611, %get3A_612] : memref<16384x128xf32, #tpu.memory_space<vmem>>, vector<2048x128xf32>
    %dot_general3A_614 = arith.constant dense<0.000000e+00> : vector<400x128xf32>
    %dot_general3A_615 = tpu.matmul %mul3A_610, %get3A_613, %dot_general3A_614 {dimension_numbers = #tpu.dot_dimension_numbers<[1], [0], [0], [1], [0, 0, 1, 1], [], []>, transpose_lhs_hint = false} : vector<400x2048xf32>, vector<2048x128xf32>, vector<400x128xf32> -> vector<400x128xf32>
    %add3A_616 = arith.addf %add3A_528, %dot_general3A_615 : vector<400x128xf32>
    %slice3A_617 = vector.extract_strided_slice %get3A_4 {offsets = [0, 112], sizes = [400, 1], strides = [1, 1]} : vector<400x128xf32> to vector<400x1xf32>
    %squeeze3A_618 = vector.shape_cast %slice3A_617 : vector<400x1xf32> to vector<400xf32>
    %broadcast_in_dim3A_619 = vector.shape_cast %squeeze3A_618 : vector<400xf32> to vector<400x1xf32>
    %broadcast_in_dim3A_620 = vector.shape_cast %broadcast_in_dim3A_619 : vector<400x1xf32> to vector<400x1xf32>
    %broadcast_in_dim3A_621 = vector.broadcast %broadcast_in_dim3A_620 : vector<400x1xf32> to vector<400x128xf32>
    %slice3A_622 = vector.extract_strided_slice %get3A_4 {offsets = [0, 113], sizes = [400, 1], strides = [1, 1]} : vector<400x128xf32> to vector<400x1xf32>
    %squeeze3A_623 = vector.shape_cast %slice3A_622 : vector<400x1xf32> to vector<400xf32>
    %broadcast_in_dim3A_624 = vector.shape_cast %squeeze3A_623 : vector<400xf32> to vector<400x1xf32>
    %broadcast_in_dim3A_625 = vector.shape_cast %broadcast_in_dim3A_624 : vector<400x1xf32> to vector<400x1xf32>
    %broadcast_in_dim3A_626 = vector.broadcast %broadcast_in_dim3A_625 : vector<400x1xf32> to vector<400x128xf32>
    %slice3A_627 = vector.extract_strided_slice %get3A_4 {offsets = [0, 114], sizes = [400, 1], strides = [1, 1]} : vector<400x128xf32> to vector<400x1xf32>
    %squeeze3A_628 = vector.shape_cast %slice3A_627 : vector<400x1xf32> to vector<400xf32>
    %broadcast_in_dim3A_629 = vector.shape_cast %squeeze3A_628 : vector<400xf32> to vector<400x1xf32>
    %broadcast_in_dim3A_630 = vector.shape_cast %broadcast_in_dim3A_629 : vector<400x1xf32> to vector<400x1xf32>
    %broadcast_in_dim3A_631 = vector.broadcast %broadcast_in_dim3A_630 : vector<400x1xf32> to vector<400x128xf32>
    %slice3A_632 = vector.extract_strided_slice %get3A_4 {offsets = [0, 115], sizes = [400, 1], strides = [1, 1]} : vector<400x128xf32> to vector<400x1xf32>
    %squeeze3A_633 = vector.shape_cast %slice3A_632 : vector<400x1xf32> to vector<400xf32>
    %broadcast_in_dim3A_634 = vector.shape_cast %squeeze3A_633 : vector<400xf32> to vector<400x1xf32>
    %broadcast_in_dim3A_635 = vector.shape_cast %broadcast_in_dim3A_634 : vector<400x1xf32> to vector<400x1xf32>
    %broadcast_in_dim3A_636 = vector.broadcast %broadcast_in_dim3A_635 : vector<400x1xf32> to vector<400x128xf32>
    %slice3A_637 = vector.extract_strided_slice %get3A_4 {offsets = [0, 116], sizes = [400, 1], strides = [1, 1]} : vector<400x128xf32> to vector<400x1xf32>
    %squeeze3A_638 = vector.shape_cast %slice3A_637 : vector<400x1xf32> to vector<400xf32>
    %broadcast_in_dim3A_639 = vector.shape_cast %squeeze3A_638 : vector<400xf32> to vector<400x1xf32>
    %broadcast_in_dim3A_640 = vector.shape_cast %broadcast_in_dim3A_639 : vector<400x1xf32> to vector<400x1xf32>
    %broadcast_in_dim3A_641 = vector.broadcast %broadcast_in_dim3A_640 : vector<400x1xf32> to vector<400x128xf32>
    %slice3A_642 = vector.extract_strided_slice %get3A_4 {offsets = [0, 117], sizes = [400, 1], strides = [1, 1]} : vector<400x128xf32> to vector<400x1xf32>
    %squeeze3A_643 = vector.shape_cast %slice3A_642 : vector<400x1xf32> to vector<400xf32>
    %broadcast_in_dim3A_644 = vector.shape_cast %squeeze3A_643 : vector<400xf32> to vector<400x1xf32>
    %broadcast_in_dim3A_645 = vector.shape_cast %broadcast_in_dim3A_644 : vector<400x1xf32> to vector<400x1xf32>
    %broadcast_in_dim3A_646 = vector.broadcast %broadcast_in_dim3A_645 : vector<400x1xf32> to vector<400x128xf32>
    %slice3A_647 = vector.extract_strided_slice %get3A_4 {offsets = [0, 118], sizes = [400, 1], strides = [1, 1]} : vector<400x128xf32> to vector<400x1xf32>
    %squeeze3A_648 = vector.shape_cast %slice3A_647 : vector<400x1xf32> to vector<400xf32>
    %broadcast_in_dim3A_649 = vector.shape_cast %squeeze3A_648 : vector<400xf32> to vector<400x1xf32>
    %broadcast_in_dim3A_650 = vector.shape_cast %broadcast_in_dim3A_649 : vector<400x1xf32> to vector<400x1xf32>
    %broadcast_in_dim3A_651 = vector.broadcast %broadcast_in_dim3A_650 : vector<400x1xf32> to vector<400x128xf32>
    %slice3A_652 = vector.extract_strided_slice %get3A_4 {offsets = [0, 119], sizes = [400, 1], strides = [1, 1]} : vector<400x128xf32> to vector<400x1xf32>
    %squeeze3A_653 = vector.shape_cast %slice3A_652 : vector<400x1xf32> to vector<400xf32>
    %broadcast_in_dim3A_654 = vector.shape_cast %squeeze3A_653 : vector<400xf32> to vector<400x1xf32>
    %broadcast_in_dim3A_655 = vector.shape_cast %broadcast_in_dim3A_654 : vector<400x1xf32> to vector<400x1xf32>
    %broadcast_in_dim3A_656 = vector.broadcast %broadcast_in_dim3A_655 : vector<400x1xf32> to vector<400x128xf32>
    %slice3A_657 = vector.extract_strided_slice %get3A_4 {offsets = [0, 120], sizes = [400, 1], strides = [1, 1]} : vector<400x128xf32> to vector<400x1xf32>
    %squeeze3A_658 = vector.shape_cast %slice3A_657 : vector<400x1xf32> to vector<400xf32>
    %broadcast_in_dim3A_659 = vector.shape_cast %squeeze3A_658 : vector<400xf32> to vector<400x1xf32>
    %broadcast_in_dim3A_660 = vector.shape_cast %broadcast_in_dim3A_659 : vector<400x1xf32> to vector<400x1xf32>
    %broadcast_in_dim3A_661 = vector.broadcast %broadcast_in_dim3A_660 : vector<400x1xf32> to vector<400x128xf32>
    %slice3A_662 = vector.extract_strided_slice %get3A_4 {offsets = [0, 121], sizes = [400, 1], strides = [1, 1]} : vector<400x128xf32> to vector<400x1xf32>
    %squeeze3A_663 = vector.shape_cast %slice3A_662 : vector<400x1xf32> to vector<400xf32>
    %broadcast_in_dim3A_664 = vector.shape_cast %squeeze3A_663 : vector<400xf32> to vector<400x1xf32>
    %broadcast_in_dim3A_665 = vector.shape_cast %broadcast_in_dim3A_664 : vector<400x1xf32> to vector<400x1xf32>
    %broadcast_in_dim3A_666 = vector.broadcast %broadcast_in_dim3A_665 : vector<400x1xf32> to vector<400x128xf32>
    %slice3A_667 = vector.extract_strided_slice %get3A_4 {offsets = [0, 122], sizes = [400, 1], strides = [1, 1]} : vector<400x128xf32> to vector<400x1xf32>
    %squeeze3A_668 = vector.shape_cast %slice3A_667 : vector<400x1xf32> to vector<400xf32>
    %broadcast_in_dim3A_669 = vector.shape_cast %squeeze3A_668 : vector<400xf32> to vector<400x1xf32>
    %broadcast_in_dim3A_670 = vector.shape_cast %broadcast_in_dim3A_669 : vector<400x1xf32> to vector<400x1xf32>
    %broadcast_in_dim3A_671 = vector.broadcast %broadcast_in_dim3A_670 : vector<400x1xf32> to vector<400x128xf32>
    %slice3A_672 = vector.extract_strided_slice %get3A_4 {offsets = [0, 123], sizes = [400, 1], strides = [1, 1]} : vector<400x128xf32> to vector<400x1xf32>
    %squeeze3A_673 = vector.shape_cast %slice3A_672 : vector<400x1xf32> to vector<400xf32>
    %broadcast_in_dim3A_674 = vector.shape_cast %squeeze3A_673 : vector<400xf32> to vector<400x1xf32>
    %broadcast_in_dim3A_675 = vector.shape_cast %broadcast_in_dim3A_674 : vector<400x1xf32> to vector<400x1xf32>
    %broadcast_in_dim3A_676 = vector.broadcast %broadcast_in_dim3A_675 : vector<400x1xf32> to vector<400x128xf32>
    %slice3A_677 = vector.extract_strided_slice %get3A_4 {offsets = [0, 124], sizes = [400, 1], strides = [1, 1]} : vector<400x128xf32> to vector<400x1xf32>
    %squeeze3A_678 = vector.shape_cast %slice3A_677 : vector<400x1xf32> to vector<400xf32>
    %broadcast_in_dim3A_679 = vector.shape_cast %squeeze3A_678 : vector<400xf32> to vector<400x1xf32>
    %broadcast_in_dim3A_680 = vector.shape_cast %broadcast_in_dim3A_679 : vector<400x1xf32> to vector<400x1xf32>
    %broadcast_in_dim3A_681 = vector.broadcast %broadcast_in_dim3A_680 : vector<400x1xf32> to vector<400x128xf32>
    %slice3A_682 = vector.extract_strided_slice %get3A_4 {offsets = [0, 125], sizes = [400, 1], strides = [1, 1]} : vector<400x128xf32> to vector<400x1xf32>
    %squeeze3A_683 = vector.shape_cast %slice3A_682 : vector<400x1xf32> to vector<400xf32>
    %broadcast_in_dim3A_684 = vector.shape_cast %squeeze3A_683 : vector<400xf32> to vector<400x1xf32>
    %broadcast_in_dim3A_685 = vector.shape_cast %broadcast_in_dim3A_684 : vector<400x1xf32> to vector<400x1xf32>
    %broadcast_in_dim3A_686 = vector.broadcast %broadcast_in_dim3A_685 : vector<400x1xf32> to vector<400x128xf32>
    %slice3A_687 = vector.extract_strided_slice %get3A_4 {offsets = [0, 126], sizes = [400, 1], strides = [1, 1]} : vector<400x128xf32> to vector<400x1xf32>
    %squeeze3A_688 = vector.shape_cast %slice3A_687 : vector<400x1xf32> to vector<400xf32>
    %broadcast_in_dim3A_689 = vector.shape_cast %squeeze3A_688 : vector<400xf32> to vector<400x1xf32>
    %broadcast_in_dim3A_690 = vector.shape_cast %broadcast_in_dim3A_689 : vector<400x1xf32> to vector<400x1xf32>
    %broadcast_in_dim3A_691 = vector.broadcast %broadcast_in_dim3A_690 : vector<400x1xf32> to vector<400x128xf32>
    %slice3A_692 = vector.extract_strided_slice %get3A_4 {offsets = [0, 127], sizes = [400, 1], strides = [1, 1]} : vector<400x128xf32> to vector<400x1xf32>
    %squeeze3A_693 = vector.shape_cast %slice3A_692 : vector<400x1xf32> to vector<400xf32>
    %broadcast_in_dim3A_694 = vector.shape_cast %squeeze3A_693 : vector<400xf32> to vector<400x1xf32>
    %broadcast_in_dim3A_695 = vector.shape_cast %broadcast_in_dim3A_694 : vector<400x1xf32> to vector<400x1xf32>
    %broadcast_in_dim3A_696 = vector.broadcast %broadcast_in_dim3A_695 : vector<400x1xf32> to vector<400x128xf32>
    %concatenate3A_697 = tpu.concatenate %broadcast_in_dim3A_621, %broadcast_in_dim3A_626, %broadcast_in_dim3A_631, %broadcast_in_dim3A_636, %broadcast_in_dim3A_641, %broadcast_in_dim3A_646, %broadcast_in_dim3A_651, %broadcast_in_dim3A_656, %broadcast_in_dim3A_661, %broadcast_in_dim3A_666, %broadcast_in_dim3A_671, %broadcast_in_dim3A_676, %broadcast_in_dim3A_681, %broadcast_in_dim3A_686, %broadcast_in_dim3A_691, %broadcast_in_dim3A_696 in 1 : vector<400x128xf32>, vector<400x128xf32>, vector<400x128xf32>, vector<400x128xf32>, vector<400x128xf32>, vector<400x128xf32>, vector<400x128xf32>, vector<400x128xf32>, vector<400x128xf32>, vector<400x128xf32>, vector<400x128xf32>, vector<400x128xf32>, vector<400x128xf32>, vector<400x128xf32>, vector<400x128xf32>, vector<400x128xf32> -> vector<400x2048xf32>
    %mul3A_698 = arith.mulf %concatenate3A_697, %concatenate3A : vector<400x2048xf32>
    %get3A_699 = arith.constant 14336 : index
    %get3A_700 = arith.constant 0 : index
    %get3A_701 = vector.load %arg3[%get3A_699, %get3A_700] : memref<16384x128xf32, #tpu.memory_space<vmem>>, vector<2048x128xf32>
    %dot_general3A_702 = arith.constant dense<0.000000e+00> : vector<400x128xf32>
    %dot_general3A_703 = tpu.matmul %mul3A_698, %get3A_701, %dot_general3A_702 {dimension_numbers = #tpu.dot_dimension_numbers<[1], [0], [0], [1], [0, 0, 1, 1], [], []>, transpose_lhs_hint = false} : vector<400x2048xf32>, vector<2048x128xf32>, vector<400x128xf32> -> vector<400x128xf32>
    %add3A_704 = arith.addf %add3A_616, %dot_general3A_703 : vector<400x128xf32>
    %swap3A = arith.constant 0 : index
    %swap3A_705 = arith.constant 0 : index
    %swap3A_706 = vector.load %arg4[%swap3A, %swap3A_705] : memref<400x128xf32, #tpu.memory_space<vmem>>, vector<400x128xf32>
    tpu.vector_store %arg4[%swap3A, %swap3A_705], %add3A_704 {strides = array<i32>} : memref<400x128xf32, #tpu.memory_space<vmem>>, vector<400x128xf32>,
    return
  }
  func.func @transform_0(%arg0: i32) -> (i32, i32) {
    %c0_i32 = arith.constant 0 : i32
    %c0_i32_0 = arith.constant 0 : i32
    return %arg0, %c0_i32 : i32, i32
  }
  func.func @transform_1(%arg0: i32) -> (i32, i32) {
    %c0_i32 = arith.constant 0 : i32
    %c0_i32_0 = arith.constant 0 : i32
    return %arg0, %c0_i32 : i32, i32
  }
  func.func @transform_2(%arg0: i32) -> (i32, i32) {
    %c0_i32 = arith.constant 0 : i32
    %c0_i32_0 = arith.constant 0 : i32
    %c0_i32_1 = arith.constant 0 : i32
    return %c0_i32, %c0_i32_0 : i32, i32
  }
  func.func @transform_3(%arg0: i32) -> (i32, i32) {
    %c0_i32 = arith.constant 0 : i32
    %c0_i32_0 = arith.constant 0 : i32
    return %arg0, %c0_i32 : i32, i32
  }
}

module attributes {stable_mosaic.version = 14 : i64} {
  func.func @_tail_kernel(%arg0: i32, %arg1: memref<400x128xf32, #tpu.memory_space<vmem>>, %arg2: memref<400x128xf32, #tpu.memory_space<vmem>>, %arg3: memref<400x128xf32, #tpu.memory_space<vmem>>, %arg4: memref<1x128xf32, #tpu.memory_space<vmem>>, %arg5: memref<400x128xf32, #tpu.memory_space<vmem>>) attributes {dimension_semantics = [#tpu.dimension_semantics<arbitrary>], iteration_bounds = array<i64: 25>, scalar_prefetch = 0 : i64, scratch_operands = 0 : i64, tpu.core_type = #tpu.core_type<tc>, window_params = [{transform_indices = @transform_0, window_bounds = array<i64: 400, 128>}, {transform_indices = @transform_1, window_bounds = array<i64: 400, 128>}, {transform_indices = @transform_2, window_bounds = array<i64: 400, 128>}, {pipeline_mode = #tpu.pipeline_mode<synchronous>, transform_indices = @transform_3, window_bounds = array<i64: 1, 128>}, {transform_indices = @transform_4, window_bounds = array<i64: 400, 128>}]} {
    %get3A = arith.constant 0 : index
    %get3A_0 = arith.constant 0 : index
    %get3A_1 = vector.load %arg1[%get3A, %get3A_0] : memref<400x128xf32, #tpu.memory_space<vmem>>, vector<400x128xf32>
    %get3A_2 = arith.constant 0 : index
    %get3A_3 = arith.constant 0 : index
    %get3A_4 = vector.load %arg2[%get3A_2, %get3A_3] : memref<400x128xf32, #tpu.memory_space<vmem>>, vector<400x128xf32>
    %add3A = arith.addf %get3A_1, %get3A_4 : vector<400x128xf32>
    %get3A_5 = arith.constant 0 : index
    %get3A_6 = arith.constant 0 : index
    %get3A_7 = vector.load %arg3[%get3A_5, %get3A_6] : memref<400x128xf32, #tpu.memory_space<vmem>>, vector<400x128xf32>
    %sub3A = arith.subf %add3A, %get3A_7 : vector<400x128xf32>
    %max3A = arith.constant 0.000000e+00 : f32
    %max3A_8 = vector.broadcast %max3A : f32 to vector<400x128xf32>
    %max3A_9 = arith.maximumf %sub3A, %max3A_8 : vector<400x128xf32>
    %abs3A = math.absf %sub3A : vector<400x128xf32>
    %neg3A = arith.constant 0.000000e+00 : f32
    %neg3A_10 = vector.broadcast %neg3A : f32 to vector<400x128xf32>
    %neg3A_11 = arith.subf %neg3A_10, %abs3A : vector<400x128xf32>
    %exp3A = math.exp %neg3A_11 : vector<400x128xf32>
    %log1p3A = math.log1p %exp3A : vector<400x128xf32>
    %add3A_12 = arith.addf %max3A_9, %log1p3A : vector<400x128xf32>
    %get3A_13 = arith.constant 0 : index
    %get3A_14 = arith.constant 0 : index
    %get3A_15 = vector.load %arg4[%get3A_13, %get3A_14] : memref<1x128xf32, #tpu.memory_space<vmem>>, vector<1x128xf32>
    %add3A_16 = vector.broadcast %get3A_15 : vector<1x128xf32> to vector<400x128xf32>
    %add3A_17 = arith.addf %add3A_12, %add3A_16 : vector<400x128xf32>
    %swap3A = arith.constant 0 : index
    %swap3A_18 = arith.constant 0 : index
    %swap3A_19 = vector.load %arg5[%swap3A, %swap3A_18] : memref<400x128xf32, #tpu.memory_space<vmem>>, vector<400x128xf32>
    tpu.vector_store %arg5[%swap3A, %swap3A_18], %add3A_17 {strides = array<i32>} : memref<400x128xf32, #tpu.memory_space<vmem>>, vector<400x128xf32>,
    return
  }
  func.func @transform_0(%arg0: i32) -> (i32, i32) {
    %c0_i32 = arith.constant 0 : i32
    %c0_i32_0 = arith.constant 0 : i32
    return %arg0, %c0_i32 : i32, i32
  }
  func.func @transform_1(%arg0: i32) -> (i32, i32) {
    %add3A = arith.constant 25 : i32
    %add3A_0 = arith.addi %arg0, %add3A : i32
    %c0_i32 = arith.constant 0 : i32
    %c0_i32_1 = arith.constant 0 : i32
    return %add3A_0, %c0_i32 : i32, i32
  }
  func.func @transform_2(%arg0: i32) -> (i32, i32) {
    %c0_i32 = arith.constant 0 : i32
    %c0_i32_0 = arith.constant 0 : i32
    return %arg0, %c0_i32 : i32, i32
  }
  func.func @transform_3(%arg0: i32) -> (i32, i32) {
    %c0_i32 = arith.constant 0 : i32
    %c0_i32_0 = arith.constant 0 : i32
    %c0_i32_1 = arith.constant 0 : i32
    return %c0_i32, %c0_i32_0 : i32, i32
  }
  func.func @transform_4(%arg0: i32) -> (i32, i32) {
    %c0_i32 = arith.constant 0 : i32
    %c0_i32_0 = arith.constant 0 : i32
    return %arg0, %c0_i32 : i32, i32
  }
}

</mosaic_0001>

<sc_bundles>
// kernel: kernel.5.cloned.1.call-start
scs
__scs_entry_jumppad:
0x0: {  	(pc) =	sbr.rel $0x88, $3  }
0x1: {  	(tag) =	ssettag $0x0;
	lr =	simm.s32 $0x1  }
0x2: {  	[smem:$0x3F9C] =	sst lr;
	_ =	strace $0xD0000000  }
0x3: {  	_ = 	snop  }
0x4: {  	_ = 	snop  }
0x5: {  	_ = 	snop  }
0x6: {  	_ = 	snop  }
0x7: {  	_ = 	snop  }
__scs_overlays_trampoline_lowered:
0x8: {  	[smem:$0x3FAB] =	sst s0  }
0x9: {  	[smem:$0x3FAC] =	sst s1  }
0xa: {  	[smem:$0x3FAD] =	sst s2  }
0xb: {  	[smem:$0x3FAE] =	sst s3  }
0xc: {  	[smem:$0x3FAF] =	sst s4  }
0xd: {  	[smem:$0x3FB0] =	sst s5  }
0xe: {  	[smem:$0x3FB1] =	sst s6  }
0xf: {  	[smem:$0x3FB2] =	sst s7  }
0x10: {  	[smem:$0x3FB3] =	sst s8  }
0x11: {  	[smem:$0x3FB4] =	sst s9;
	s0 =	simm.s32 @!p0 $0x0  }
0x12: {  	s1 =	sld [smem:$0x3F9A];
	s0 =	simm.s32 @p0 $0x1  }
0x13: {  	[smem:$0x3FB5] =	sst s0;
	s0 =	simm.s32 @!p1 $0x0  }
0x14: {  	s2 =	sld [smem:$0x3F99];
	s0 =	simm.s32 @p1 $0x1  }
0x15: {  	[smem:$0x3FB6] =	sst s0;
	s0 =	simm.s32 @!p2 $0x0  }
0x16: {  	s3 =	sld [smem:$0x3FDB];
	s0 =	simm.s32 @p2 $0x1  }
0x17: {  	s4 =	simm.s32 $0x1BF5;
	[smem:$0x3FB8] =	sst s0  }
0x18: {  	s0 =	sld [smem:$0x3F9B];
	_ =	swait.ge [sflag:s4], $0x0  }
0x19: {  	s7 =	sld [smem:$0x3F9C]  }
0x1a: {  	s8 =	sadd.s32 $0xFFFFE003, lr  }
0x1b: {  	s9 =	sadd.s32 $0xFFFFFEF7, lr;
	s5 =	simm.s32 $0xFFFFFFFF;
	p2 =	slt.u32 s8, $0xFFFFF086  }
0x1c: {  	p1 =	slt.u32 s9, $0xF7A;
	s5 =	simm.s32 @!p2 $0x0  }
0x1d: {  	s5 =	simm.s32 @p1 $0x1;
	p0 =	seq.s32 s7, s2  }
0x1e: {  	s7 =	smul.u32 @!p0 $0xF7A, s2;
	p2 =	seq.s32 @!p0 s5, $0x0  }
0x1f: {  	s9 =	smul.u32 $0xF7A, s1;
	s8 =	simm.s32 @!p0 $0x1BF5;
	p2 =	por !p2, p0  }
0x20: {  	[sflag:s8] =	ssyncset.s32 @!p0 $0xFFFFF086;
	s6 =	sadd.s32 @!p0 s3, s7;
	s7 =	simm.s32 @!p0 $0x108  }
0x21: {  	s3 =	sadd.s32 s3, s9;
	s6 =	sadd.s32 @!p0 $0x88, s6;
	s7 =	simm.s32 @p2 $0x1082  }
0x22: {  	[simem:s7], [sflag:s8] =	dma.local @!p0 [hbm:s6], $0xF7A  }
0x23: {  	s9 =	sor.u32 $0xD0000000, s2;
	s6 =	simm.s32 $0x108;
	_ =	swait.ge @!p0 [sflag:s8], $0x0  }
0x24: {  	s3 =	sadd.s32 $0x88, s3;
	s6 =	simm.s32 @!p1 $0x1082;
	[sflag:s4] =	ssyncset.s32 $0xFFFFF086  }
0x25: {  	[simem:s6], [sflag:s4] =	dma.local [hbm:s3], $0xF7A  }
0x26: {  	[smem:$0x3F9C] =	sst s1;
	(tag) =	ssettag s2;
	_ =	strace s9  }
0x27: {  	s1 =	sld [smem:$0x3FAC]  }
0x28: {  	s2 =	sld [smem:$0x3FAD]  }
0x29: {  	s4 =	sld [smem:$0x3FAF]  }
0x2a: {  	p0 =	seq.s32 s5, $0x0;
	s5 =	sld [smem:$0x3FB0]  }
0x2b: {  	s6 =	sld [smem:$0x3FB1]  }
0x2c: {  	s7 =	sld [smem:$0x3FB2]  }
0x2d: {  	s3 =	simm.s32 $0x108;
	s8 =	sld [smem:$0x3FB3]  }
0x2e: {  	s3 =	simm.s32 @!p0 $0x1082;
	s9 =	sld [smem:$0x3FB4]  }
0x2f: {  	lr =	sadd.s32 s0, s3;
	s0 =	sld [smem:$0x3FAB]  }
0x30: {  	s3 =	sld [smem:$0x3FAE]  }
0x31: {  	[smem:$0x3FB7] =	sst s10  }
0x32: {  	s10 =	sld [smem:$0x3FB5];
	_ =	sdelay $0x3  }
0x33: {  	p0 =	seq.s32 s10, $0x1;
	s10 =	sld [smem:$0x3FB7];
	_ =	sdelay $0x3  }
0x34: {  	[smem:$0x3FB7] =	sst s10  }
0x35: {  	s10 =	sld [smem:$0x3FB6];
	_ =	sdelay $0x3  }
0x36: {  	p1 =	seq.s32 s10, $0x1;
	s10 =	sld [smem:$0x3FB7];
	_ =	sdelay $0x3  }
0x37: {  	[smem:$0x3FB7] =	sst s10  }
0x38: {  	s10 =	sld [smem:$0x3FB8]  }
0x39: {  	_ = 	snop;
	(pc) =	sbr.ind lr, $3  }
0x3a: {  	_ = 	snop  }
0x3b: {  	_ = 	snop  }
0x3c: {  	p2 =	seq.s32 s10, $0x1;
	s10 =	sld [smem:$0x3FB7]  }
0x3d: {  	_ =	shalt  }
0x3e: {  	_ =	shalt  }
0x3f: {  	_ =	shalt  }
0x40: {  	_ =	shalt  }
0x41: {  	_ =	shalt  }
0x42: {  	_ =	shalt  }
0x43: {  	_ =	shalt  }
0x44: {  	_ =	shalt  }
0x45: {  	_ =	shalt  }
0x46: {  	_ =	shalt  }
0x47: {  	_ =	shalt  }
0x48: {  	_ =	shalt  }
0x49: {  	_ =	shalt  }
0x4a: {  	_ =	shalt  }
0x4b: {  	_ =	shalt  }
0x4c: {  	_ =	shalt  }
0x4d: {  	_ =	shalt  }
0x4e: {  	_ =	shalt  }
0x4f: {  	_ =	shalt  }
0x50: {  	_ =	shalt  }
0x51: {  	_ =	shalt  }
0x52: {  	_ =	shalt  }
0x53: {  	_ =	shalt  }
0x54: {  	_ =	shalt  }
0x55: {  	_ =	shalt  }
0x56: {  	_ =	shalt  }
0x57: {  	_ =	shalt  }
0x58: {  	_ =	shalt  }
0x59: {  	_ =	shalt  }
0x5a: {  	_ =	shalt  }
0x5b: {  	_ =	shalt  }
0x5c: {  	_ =	shalt  }
0x5d: {  	_ =	shalt  }
0x5e: {  	_ =	shalt  }
0x5f: {  	_ =	shalt  }
0x60: {  	_ =	shalt  }
0x61: {  	_ =	shalt  }
0x62: {  	_ =	shalt  }
0x63: {  	_ =	shalt  }
0x64: {  	_ =	shalt  }
0x65: {  	_ =	shalt  }
0x66: {  	_ =	shalt  }
0x67: {  	_ =	shalt  }
0x68: {  	_ =	shalt  }
0x69: {  	_ =	shalt  }
0x6a: {  	_ =	shalt  }
0x6b: {  	_ =	shalt  }
0x6c: {  	_ =	shalt  }
0x6d: {  	_ =	shalt  }
0x6e: {  	_ =	shalt  }
0x6f: {  	_ =	shalt  }
0x70: {  	_ =	shalt  }
0x71: {  	_ =	shalt  }
0x72: {  	_ =	shalt  }
0x73: {  	_ =	shalt  }
0x74: {  	_ =	shalt  }
0x75: {  	_ =	shalt  }
0x76: {  	_ =	shalt  }
0x77: {  	_ =	shalt  }
0x78: {  	_ =	shalt  }
0x79: {  	_ =	shalt  }
0x7a: {  	_ =	shalt  }
0x7b: {  	_ =	shalt  }
0x7c: {  	_ =	shalt  }
0x7d: {  	_ =	shalt  }
0x7e: {  	_ =	shalt  }
0x7f: {  	_ =	shalt  }
0x80: {  	_ =	shalt  }
0x81: {  	_ =	shalt  }
0x82: {  	_ =	shalt  }
0x83: {  	_ =	shalt  }
0x84: {  	_ =	shalt  }
0x85: {  	_ =	shalt  }
0x86: {  	_ =	shalt  }
0x87: {  	_ =	shalt  }
.Lfunc_end0:
.L_simem_size_0:
called_computation_lowered:
.L_overlay_start_0:
0x88: {  	s2 =	sld [smem:$0x3FD9]  }
0x89: {  	s3 =	sld [smem:$0x3FFE];
	_ =	sdelay $0x1  }
0x8a: {  	s1 =	srdreg.scid  }
0x8b: {  	s0 =	sand.u32 $0x1, s1  }
0x8c: {  	s17 =	sshll.u32 s0, $0xA;
	s2 =	sadd.s32 s3, s2  }
0x8d: {  	s2 =	sadd.s32 s2, s17  }
0x8e: {  	[smem:$0x3FC3] =	sst s2  }
0x8f: {  	_ = 	snop  }
0x90: {  	s2 =	sld [smem:$0x3FD0];
	(tm) =	ssettm $0x1  }
0x91: {  	s18 =	sld [smem:$0x3FFB];
	_ =	sdelay $0x3  }
0x92: {  	_ =	strace s18  }
0x93: {  	s3 =	sld [smem:$0x3FFC];
	_ =	sdelay $0x3  }
0x94: {  	_ =	strace s3  }
0x95: {  	s3 =	sld [smem:$0x3FFD];
	_ =	sdelay $0x3  }
0x96: {  	_ =	strace s3  }
0x97: {  	_ =	strace $0x8FFFFFFF  }
0x98: {  	s19 =	sld [smem:$0x3FDB];
	_ =	sdelay $0x1  }
0x99: {  	s4 =	simm.s32 $_scs_section_size  }
0x9a: {  	s5 =	simm.s32 $_size__tile_overlayer_lowered;
	s6 =	simm.s32 $_tile_overlayer_lowered  }
0x9b: {  	s22 =	simm.s32 $0x1BFF;
	s21 =	sshll.u32 s6, $0x1;
	s3 =	sadd.s32 s4, s19  }
0x9c: {  	s7 =	simm.s32 $0x0;
	s20 =	sshll.u32 s5, $0x1;
	s5 =	sadd.s32 s21, s3  }
0x9d: {  	[timem:s7], [sflag:s22] =	dma.local [hbm:s5], s20  }
0x9e: {  	_ =	swait.ge [sflag:s22], s20  }
0x9f: {  	s4 =	ssub.s32 $0x0, s20;
	[sflag:s22] =	ssyncset.done $0x0  }
0xa0: {  	[sflag:s22] =	ssyncadd.s32 s4;
	_ =	sdelay $0x1  }
0xa1: {  	s23 =	simm.s32 $0x1B8B  }
0xa2: {  	_ =	swait.ge [sflag:s23], $0x1  }
0xa3: {  	[sflag:s23] =	ssyncset.done $0x0  }
0xa4: {  	s25 =	simm.s32 $0x1B8E;
	s24 =	sld [smem:$0x3FFE];
	[sflag:s23] =	ssyncadd.s32 $0xFFFFFFFF  }
0xa5: {  	s26 =	simm.s32 $execute0_lowered;
	[smem:$0x3FD2] =	sst s25  }
0xa6: {  	s5 =	sshll.u32 s26, $0x1;
	_ =	strace $0x80000046;
	[dreg:$0x1] =	wrdreg $0xFFFFFFFF  }
0xa7: {  	s28 =	simm.s32 $_size_execute0_lowered;
	s3 =	sadd.s32 s3, s5;
	[dreg:$0x0] =	wrdreg $0x0  }
0xa8: {  	s5 =	sshll.u32 s28, $0x1;
	[dreg:$0x2] =	wrdreg s3  }
0xa9: {  	[dreg:$0x3] =	wrdreg s5  }
0xaa: {  	[dreg:$0x4] =	wrdreg $0xC0  }
0xab: {  	_ =	task [dreg:s7], $0x5FFFF  }
0xac: {  	[dreg:$0x1] =	wrdreg $0xFFFFFFFF  }
0xad: {  	[dreg:$0x0] =	wrdreg $0x60  }
0xae: {  	[dreg:$0x2] =	wrdreg s2  }
0xaf: {  	[dreg:$0x3] =	wrdreg s24  }
0xb0: {  	[dreg:$0x4] =	wrdreg $0x29000  }
0xb1: {  	[dreg:$0x5] =	wrdreg $0x9  }
0xb2: {  	_ =	task.clear_ibuf [dreg:s7], $0x6FFFF;
	_ =	strace $0x90000046  }
0xb3: {  	s29 =	simm.s32 $0x9;
	_ =	strace $0x80000048  }
0xb4: {  	_ =	swait.ge [sflag:s29], $0x1  }
0xb5: {  	[sflag:s29] =	ssyncadd.s32 $0xFFFFFFFF  }
0xb6: {  	_ =	strace $0x90000048  }
0xb7: {  	_ =	sfence  }
0xb8: {  	s30 =	sld [smem:$0x0];
	_ =	sdelay $0x2  }
0xb9: {  	s31 =	sshll.u32 s1, $0xD;
	s1 =	sshrl.u32 s1, $0x2  }
0xba: {  	s3 =	sand.u32 $0x4000, s31;
	s1 =	sadd.s32 s1, s30  }
0xbb: {  	s0 =	sor.u32 s3, s0;
	s1 =	sshll.u32 s1, $0x11  }
0xbc: {  	s0 =	sor.u32 s1, s0  }
0xbd: {  	s0 =	sadd.s32 $0x8F2B, s0  }
0xbe: {  	[sflag:s0] =	ssyncadd.remote.s32 $0x1  }
0xbf: {  	_ =	sfence.sel $0xFFFF  }
0xc0: {  	[dreg:$0x0] =	wrdreg $0xFFFFFFFF;
	(pc) =	sbr.abs _section_cstart, $3  }
0xc1: {  	[dreg:$0x1] =	wrdreg $0xFFFFFFFF  }
0xc2: {  	_ =	task.clear_ibuf [dreg:s7], $0x2FFFF;
	_ =	strace $0x9FFFFFFF  }
0xc3: {  	(tm) =	ssettm $0x7FFFFFFF  }
tec
execute0_lowered:
.L_overlay_start_1:
0x0: {  	(tag) =	ssettag $0x1  }
0x1: {  	s1 =	rddreg [dreg:$0x0]  }
0x2: {  	s8 =	rddreg [dreg:$0x1]  }
0x3: {  	s3 =	rddreg [dreg:$0x2]  }
0x4: {  	s0 =	srdreg.scid;
	s2 =	rddreg [dreg:$0x3]  }
0x5: {  	s4 =	simm.s32 $0x0;
	s16 =	simm.s32 $0x80;
	s5 =	sand.u32 $0x1, s0  }
0x6: {  	s17 =	simm.s32 $0x50;
	s0 =	stileid.u32;
	s7 =	smul.u32 $0x27100, s5  }
0x7: {  	s18 =	simm.s32 $0x100;
	s19 =	simm.s32 $0x1;
	s6 =	smul.u32 $0x2710, s0  }
0x8: {  	s20 =	simm.s32 $0x0;
	[smem:$0x7FF] =	sst s4;
	s9 =	smul.u32 $0x2700, s0  }
0x9: {  	s11 =	sadd.s32 $0x3B600, s8;
	_ =	strace $0x80000047;
	s28 =	smul.u32 $0x4E000, s0  }
0xa: {  	s13 =	ssub.s32 $0x2, s5;
	s15 =	smul.u32 $0x138800, s5;
	s30 =	sshll.u32 s0, $0x6  }
0xb: {  	p0 =	sne.s32 s0, $0xF;
	s14 =	sshrl.u32 s13, $0x1;
	s6 =	sadd.s32 s6, s7  }
0xc: {  	s10 =	sadd.s32 s9, s8;
	s13 =	ssub.s32 s13, s14;
	s31 =	sshrl.u32 s15, $0x3  }
0xd: {  	s15 =	sadd.s32 $0x138000, s3;
	s9 =	sadd.s32 s9, s7;
	s7 =	sadd.s32 $0x3B400, s8  }
0xe: {  	s14 =	simm.s32 $0x2;
	s6 =	sshrl.u32 s6, $0x3;
	s5 =	sadd.s32 $0x14400, s10  }
0xf: {  	s10 =	sadd.s32 s11, s31;
	s15 =	sshrl.u32 @!p0 s15, $0x3;
	s12 =	sadd.s32 s6, s8  }
0x10: {  	s6 =	sshrl.u32 s28, $0x2;
	s8 =	sadd.s32 s11, s9;
	s9 =	sadd.s32 $0x27000, s10  }
0x11: {  	s10 =	smax.u32 s13, $0x1;
	s29 =	sadd.s32 s6, s3;
	s6 =	sor.u32 $0x1C02, s30  }
0x12: {  	s11 =	sadd.s32 $0x800, s12;
	s12 =	sadd.s32 $0xA600, s12;
	s13 =	sshrl.u32 s29, $0x3  }
.LBB2_1:
0x13: {  	[spmem:s13], [sflag:s6] =	dma.local [hbm:s5], $0x2700  }
0x14: {  	_ =	swait.ge [sflag:s14], $0x2700  }
0x15: {  	[sflag:s14] =	ssyncset.done $0x0  }
0x16: {  	s21 =	simm.s32 @!p0 $0x2;
	[sflag:s14] =	ssyncadd.s32 $0xFFFFD900  }
0x17: {  	[spmem:s15], [sflag:s6] =	dma.local @!p0 [hbm:s7], $0x100  }
0x18: {  	_ =	swait.ge @!p0 [sflag:s21], $0x100  }
0x19: {  	[sflag:s21] =	ssyncset.done @!p0 $0x0  }
0x1a: {  	[sflag:s21] =	ssyncadd.s32 @!p0 $0xFFFFFF00  }
0x1b: {  	s30 =	sadd.s32 $0x0, s12;
	[bflag:$0x0] =	sbarrier.arrive $0xFFFF  }
0x1c: {  	[tilespmem:s4], [sflag:$0x2] =	stream.linear.gather [hbm4b:s30+s4], $0x50, $0x38;
	[tilespmem:$0x16180] =	vst v63  }
0x1d: {  	_ =	swait.ge [sflag:s14], $0x50  }
0x1e: {  	[sflag:s14] =	ssyncset.done $0x0  }
0x1f: {  	s31 =	sadd.s32 $0x0, s11;
	[sflag:s14] =	ssyncadd.s32 $0xFFFFFFB0  }
0x20: {  	[tilespmem:s16], [sflag:$0x2] =	stream.linear.gather [hbm4b:s31+s4], $0x50, $0x38;
	[tilespmem:$0x16180] =	vst v63  }
0x21: {  	_ =	swait.ge [sflag:s14], $0x50  }
0x22: {  	[sflag:s14] =	ssyncset.done $0x0  }
0x23: {  	[sflag:s14] =	ssyncadd.s32 $0xFFFFFFB0  }
0x24: {  	[tilespmem:s18], [sflag:$0x1] =	stream.indirect.gather [hbm4b:s1+s17], $0x80, s4, s17, $0xb8;
	[tilespmem:$0x16180] =	vst v63  }
0x25: {  	_ =	swait.ge [sflag:s19], $0x2800  }
0x26: {  	[sflag:s19] =	ssyncset.done $0x0  }
0x27: {  	[sflag:s19] =	ssyncadd.s32 $0xFFFFD800  }
0x28: {  	[spmem:s3] =	stream.indirect.scatter.add.f32 [tilespmem:s18], [sflag:$0x2], $0x80, s16, s17, $0xb8;
	[tilespmem:$0x16180] =	vst v63  }
0x29: {  	_ =	swait.ge [sflag:s14], $0x2800  }
0x2a: {  	s22 =	simm.s32 $0x14;
	s21 =	simm.s32 $0xA;
	[sflag:s14] =	ssyncset.done $0x0  }
.LBB2_2:
0x2b: {  	s23 =	sadd.s32 s21, s12  }
0x2c: {  	[sflag:s14] =	ssyncadd.s32 $0xFFFFD800;
	s24 =	smov.u32 s22;
	s25 =	sadd.s32 $0xA, s22  }
0x2d: {  	[tilespmem:s4], [sflag:$0x2] =	stream.linear.gather [hbm4b:s23+s4], $0x50, $0x38;
	[tilespmem:$0x16180] =	vst v63  }
0x2e: {  	p1 =	sne.s32 s22, $0x4D8;
	_ =	swait.ge [sflag:s14], $0x50  }
0x2f: {  	[sflag:s14] =	ssyncset.done $0x0  }
0x30: {  	s22 =	sadd.s32 s21, s11;
	s21 =	smov.u32 s24;
	[sflag:s14] =	ssyncadd.s32 $0xFFFFFFB0  }
0x31: {  	[tilespmem:s16], [sflag:$0x2] =	stream.linear.gather [hbm4b:s22+s4], $0x50, $0x38;
	[tilespmem:$0x16180] =	vst v63  }
0x32: {  	_ =	swait.ge [sflag:s14], $0x50  }
0x33: {  	[sflag:s14] =	ssyncset.done $0x0  }
0x34: {  	[sflag:s14] =	ssyncadd.s32 $0xFFFFFFB0  }
0x35: {  	[tilespmem:s18], [sflag:$0x1] =	stream.indirect.gather [hbm4b:s1+s17], $0x80, s4, s17, $0xb8;
	[tilespmem:$0x16180] =	vst v63  }
0x36: {  	_ =	swait.ge [sflag:s19], $0x2800  }
.Ltmp0:
0x37: {  	[sflag:s19] =	ssyncset.done $0x0;
	(pc) =	sbr.rel @p1 .LBB2_2-.Ltmp0, $4  }
0x38: {  	[sflag:s19] =	ssyncadd.s32 $0xFFFFD800  }
0x39: {  	[spmem:s3] =	stream.indirect.scatter.add.f32 [tilespmem:s18], [sflag:$0x2], $0x80, s16, s17, $0xb8;
	[tilespmem:$0x16180] =	vst v63  }
0x3a: {  	_ =	swait.ge [sflag:s14], $0x2800  }
0x3b: {  	s22 =	smov.u32 s25;
	[sflag:s14] =	ssyncset.done $0x0  }
0x3c: {  	s22 =	sadd.s32 s21, s12;
	[sflag:s14] =	ssyncadd.s32 $0xFFFFD800  }
0x3d: {  	[tilespmem:s4], [sflag:$0x2] =	stream.linear.gather [hbm4b:s22+s4], $0x50, $0x38;
	[tilespmem:$0x16180] =	vst v63  }
0x3e: {  	_ =	swait.ge [sflag:s14], $0x50  }
0x3f: {  	[sflag:s14] =	ssyncset.done $0x0  }
0x40: {  	s31 =	sadd.s32 s21, s11;
	[sflag:s14] =	ssyncadd.s32 $0xFFFFFFB0  }
0x41: {  	[tilespmem:s16], [sflag:$0x2] =	stream.linear.gather [hbm4b:s31+s4], $0x50, $0x38;
	[tilespmem:$0x16180] =	vst v63  }
0x42: {  	_ =	swait.ge [sflag:s14], $0x50  }
0x43: {  	[sflag:s14] =	ssyncset.done $0x0  }
0x44: {  	[sflag:s14] =	ssyncadd.s32 $0xFFFFFFB0  }
0x45: {  	[tilespmem:s18], [sflag:$0x1] =	stream.indirect.gather [hbm4b:s1+s17], $0x80, s4, s17, $0xb8;
	[tilespmem:$0x16180] =	vst v63  }
0x46: {  	_ =	swait.ge [sflag:s19], $0x2800  }
0x47: {  	[sflag:s19] =	ssyncset.done $0x0  }
0x48: {  	[sflag:s19] =	ssyncadd.s32 $0xFFFFD800  }
0x49: {  	[spmem:s3] =	stream.indirect.scatter.add.f32 [tilespmem:s18], [sflag:$0x2], $0x80, s16, s17, $0xb8;
	[tilespmem:$0x16180] =	vst v63  }
0x4a: {  	_ =	swait.ge [sflag:s14], $0x2800  }
0x4b: {  	[sflag:s14] =	ssyncset.done $0x0  }
0x4c: {  	[sflag:s14] =	ssyncadd.s32 $0xFFFFD800  }
0x4d: {  	[bflag:$0x0] =	sbarrier.arrive $0xFFFF  }
0x4e: {  	[hbm:s8], [sflag:s6] =	dma.local [spmem:s13], $0x2700  }
0x4f: {  	s20 =	sadd.s32 $0x1, s20;
	_ =	swait.ge [sflag:s14], $0x2700  }
0x50: {  	p1 =	sne.s32 s20, s10;
	[sflag:s14] =	ssyncset.done $0x0  }
.Ltmp1:
0x51: {  	s21 =	simm.s32 @!p0 $0x2;
	[sflag:s14] =	ssyncadd.s32 $0xFFFFD900;
	(pc) =	sbr.rel @p1 .LBB2_1-.Ltmp1, $4  }
0x52: {  	[hbm:s9], [sflag:s6] =	dma.local @!p0 [spmem:s15], $0x100  }
0x53: {  	_ =	swait.ge @!p0 [sflag:s21], $0x100  }
0x54: {  	[sflag:s21] =	ssyncset.done @!p0 $0x0  }
0x55: {  	[sflag:s21] =	ssyncadd.s32 @!p0 $0xFFFFFF00  }
0x56: {  	_ =	sfence.sel $0x180000  }
0x57: {  	[bflag:$0x0] =	sbarrier.arrive $0xFFFF  }
0x58: {  	p0 =	sne.s32 s0, $0x0;
	_ =	strace $0x90000047  }
0x59: {  	s0 =	sadd.s32 @!p0 $0x100000, s2;
	[bflag:$0x2] =	sbarrier.arrive $0xFFFF  }
0x5a: {  	[sflag:s0] =	ssyncadd.tile.s32 @!p0 $0x1;
	_ =	shalt  }
.Lfunc_end2:
_tile_overlayer_lowered:
.L_overlay_start_2:
0x5b: {  	(tag) =	ssettag $0x2  }
0x5c: {  	s0 =	rddreg [dreg:$0x0];
	s2 =	stileid.u32  }
0x5d: {  	s1 =	rddreg [dreg:$0x1];
	p0 =	sne.s32 s2, $0x0  }
0x5e: {  	s3 =	rddreg [dreg:$0x2];
	[bflag:$0x3] =	sbarrier.arrive $0xFFFF;
	s2 =	simm.s32 @!p0 $0x1C02  }
0x5f: {  	[timem:s3], [sflag:s2] =	dma.local @!p0 [hbm:s0], s1  }
0x60: {  	s0 =	simm.s32 @!p0 $0x2  }
0x61: {  	_ =	swait.ge @!p0 [sflag:s0], s1  }
0x62: {  	s1 =	ssub.s32 @!p0 $0x0, s1;
	[sflag:s0] =	ssyncset.done @!p0 $0x0  }
0x63: {  	[sflag:s0] =	ssyncadd.s32 @!p0 s1  }
0x64: {  	[bflag:$0x3] =	sbarrier.arrive $0xFFFF  }
0x65: {  	_ =	shalt  }

</sc_bundles>
